<compile_context>
chip_gen: v7x
topology: tpu7x:2x2x1
jax: 0.10.2.dev20260603
libtpu: 0.0.44.dev20260713+nightly
codegen_flags: <defaults>
</compile_context>

<pallas_src>
import jax
import jax.numpy as jnp
from jax import lax
from jax.experimental import pallas as pl
from jax.experimental.pallas import tpu as pltpu
from jax.experimental.pallas import tpu_sc as plsc

_D_PROJ = 128
_EMB_SCALE = float(_D_PROJ) ** 0.5

_BLK = 8192
_S1 = 106496
_S2 = 409600
_P_ROWS = 1015808
_B0_BLOCKS = _S1 // _BLK
_B1_BLOCKS = (_S2 - _S1) // _BLK
_B2_BLOCKS = (_P_ROWS - _S2) // _BLK

_GATHER_WINDOW = 128

_TDIMS = (((0,), (0,)), ((), ()))


def _project_tables(emb0, emb1t, emb2t, p0t, p1t, p2t):

    def body(e0_ref, e1_ref, e2_ref, p0_ref, p1_ref, p2_ref, out_ref):
        i = pl.program_id(0)

        @pl.when(i < _B0_BLOCKS)
        def _():
            out_ref[...] = jnp.dot(
                e0_ref[...], p0_ref[...], preferred_element_type=jnp.float32
            )

        @pl.when(jnp.logical_and(i >= _B0_BLOCKS, i < _B0_BLOCKS + _B1_BLOCKS))
        def _():
            out_ref[...] = lax.dot_general(
                e1_ref[...], p1_ref[...], _TDIMS,
                preferred_element_type=jnp.float32,
            )

        @pl.when(i >= _B0_BLOCKS + _B1_BLOCKS)
        def _():
            out_ref[...] = lax.dot_general(
                e2_ref[...], p2_ref[...], _TDIMS,
                preferred_element_type=jnp.float32,
            )

    return pl.pallas_call(
        body,
        grid=(_B0_BLOCKS + _B1_BLOCKS + _B2_BLOCKS,),
        in_specs=[
            pl.BlockSpec(
                (_BLK, 128), lambda i: (jnp.minimum(i, _B0_BLOCKS - 1), 0)
            ),
            pl.BlockSpec(
                (32, _BLK),
                lambda i: (0, jnp.clip(i - _B0_BLOCKS, 0, _B1_BLOCKS - 1)),
            ),
            pl.BlockSpec(
                (8, _BLK),
                lambda i: (
                    0,
                    jnp.clip(i - _B0_BLOCKS - _B1_BLOCKS, 0, _B2_BLOCKS - 1),
                ),
            ),
            pl.BlockSpec((128, 128), lambda i: (0, 0)),
            pl.BlockSpec((32, 128), lambda i: (0, 0)),
            pl.BlockSpec((8, 128), lambda i: (0, 0)),
        ],
        out_specs=pl.BlockSpec((_BLK, 128), lambda i: (i, 0)),
        out_shape=jax.ShapeDtypeStruct((_P_ROWS, _D_PROJ), jnp.float32),
        compiler_params=pltpu.CompilerParams(
            dimension_semantics=("parallel",),
        ),
    )(emb0, emb1t, emb2t, p0t, p1t, p2t)


def _transform_idx(inp):

    def body(t_ref, o_ref):
        t = t_ref[...]
        o_ref[...] = t + jnp.where(
            t < 100000, 0, jnp.where(t < 400000, _S1 - 100000, _S2 - 400000)
        )

    shape = inp.shape

    return pl.pallas_call(
        body,
        grid=(8,),
        in_specs=[pl.BlockSpec((shape[0] // 8, shape[1]), lambda i: (i, 0))],
        out_specs=pl.BlockSpec((shape[0] // 8, shape[1]), lambda i: (i, 0)),
        out_shape=jax.ShapeDtypeStruct(shape, jnp.int32),
    )(inp)


def _sc_gather(table, idx_flat, n):
    mesh = plsc.VectorSubcoreMesh(core_axis_name="core", subcore_axis_name="subcore")

    @pl.kernel(
        out_type=jax.ShapeDtypeStruct((n, _D_PROJ), jnp.float32),
        mesh=mesh,
    )
    def k(tbl_hbm, i_hbm, o_hbm):
        def body(i_vmem, o_vmem):
            for j in range(2):
                pltpu.sync_copy(
                    tbl_hbm.at[i_vmem.at[0, pl.ds(j * _GATHER_WINDOW, _GATHER_WINDOW)]],
                    o_vmem.at[pl.ds(j * _GATHER_WINDOW, _GATHER_WINDOW)],
                )

        pltpu.emit_pipeline(
            body,
            grid=(n // (2 * _GATHER_WINDOW),),
            in_specs=[
                pl.BlockSpec((1, 2 * _GATHER_WINDOW), lambda i: (0, i)),
            ],
            out_specs=[
                pl.BlockSpec((2 * _GATHER_WINDOW, _D_PROJ), lambda i: (i, 0)),
            ],
            core_axis_name=("core", "subcore"),
            dimension_semantics=(pltpu.PARALLEL,),
        )(i_hbm, o_hbm)

    return k(table, idx_flat)


def kernel(inp, emb0, emb1, emb2, proj0, proj1, proj2):
    scale = jnp.float32(_EMB_SCALE)
    p0t = proj0.T * scale
    p1t = proj1.T * scale
    p2t = proj2.T * scale
    table = _project_tables(emb0, emb1.T, emb2.T, p0t, p1t, p2t)
    idx = _transform_idx(inp)
    idx_flat = idx.reshape(1, -1)
    n = idx_flat.shape[1]
    out = _sc_gather(table, idx_flat, n)
    return out.reshape(inp.shape + (_D_PROJ,))

# --- scband reference (transcript-rebuilt; emitter-appended) ---
"""Pipeline reference for scband-adaptive-embedding-59871844107157 (READ-ONLY COPY).

The authoritative reference and input builder live on the scoring server;
editing this copy changes nothing except your own understanding.
"""

import jax, jax.numpy as jnp
import numpy as np

N_TOKEN = 1000000
D_EMBED = 128
D_PROJ = 128
DIV_VAL = 4
CUTOFFS = [100000, 400000, N_TOKEN]
CUTOFF_ENDS = [0] + CUTOFFS
EMB_SCALE = D_PROJ ** 0.5


def setup_inputs(seed: int = 0) -> dict:
    key = jax.random.key(seed)
    ks = jax.random.split(key, 8)
    inp = jax.random.randint(ks[0], (4096, 200), 0, N_TOKEN, dtype=jnp.int32)
    tables = []
    projs = []
    for i in range(len(CUTOFFS)):
        l_idx, r_idx = CUTOFF_ENDS[i], CUTOFF_ENDS[i + 1]
        d_emb_i = D_EMBED // (DIV_VAL ** i)
        tbl = jax.random.normal(ks[1 + i], (r_idx - l_idx, d_emb_i), dtype=jnp.float32)
        tbl = tbl.at[1].set(0.0)  # padding_idx=1 row is zero in torch nn.Embedding
        tables.append(tbl)
        projs.append(jax.random.normal(ks[4 + i], (D_PROJ, d_emb_i), dtype=jnp.float32) * 0.02)
    return {
        "inp": inp,
        "emb0": tables[0], "emb1": tables[1], "emb2": tables[2],
        "proj0": projs[0], "proj1": projs[1], "proj2": projs[2],
    }


def reference(inp, emb0, emb1, emb2, proj0, proj1, proj2):
    tables = [emb0, emb1, emb2]
    projs = [proj0, proj1, proj2]
    inp_flat = inp.reshape(-1)
    n = inp_flat.shape[0]
    emb_flat = jnp.zeros((n, D_PROJ), dtype=jnp.float32)
    for i in range(len(CUTOFFS)):
        l_idx, r_idx = CUTOFF_ENDS[i], CUTOFF_ENDS[i + 1]
        mask_i = (inp_flat >= l_idx) & (inp_flat < r_idx)
        idx_i = jnp.clip(inp_flat - l_idx, 0, tables[i].shape[0] - 1)
        emb_i = jnp.take(tables[i], idx_i, axis=0)  # gather [n, d_emb_i]
        emb_i = emb_i @ projs[i].T                  # project to d_proj
        emb_flat = emb_flat + jnp.where(mask_i[:, None], emb_i, 0.0)
    embed = emb_flat.reshape(inp.shape + (D_PROJ,))
    embed = embed * EMB_SCALE
    return embed

if __name__ == "__main__":
    import jax
    _d = setup_inputs()
    print(jax.jit(kernel)(*tuple(_d.values())))

</pallas_src>

<mosaic_0001>
#map = affine_map<(d0, d1) -> (0, 0)>
module attributes {stable_mosaic.version = 14 : i64} {
  func.func @k(%arg0: i32, %arg1: i32, %arg2: memref<1015808x128xf32, #tpu.memory_space<hbm>>, %arg3: memref<1x819200xi32, #tpu.memory_space<hbm>>, %arg4: memref<819200x128xf32, #tpu.memory_space<hbm>>) attributes {dimension_semantics = [#tpu.dimension_semantics<core_parallel>, #tpu.dimension_semantics<subcore_parallel>], iteration_bounds = array<i64: 2, 16>, scalar_prefetch = 0 : i64, scratch_operands = 0 : i64, tpu.core_type = #tpu.core_type<sc_vector_subcore>, window_params = [{transform_indices = #map}, {transform_indices = #map}, {transform_indices = #map}]} {
    %mul3A = arith.constant 1 : i32
    %mul3A_0 = arith.muli %arg1, %mul3A : i32
    %add3A = arith.constant 0 : i32
    %add3A_1 = arith.addi %add3A, %mul3A_0 : i32
    %mul3A_2 = arith.constant 16 : i32
    %mul3A_3 = arith.muli %arg0, %mul3A_2 : i32
    %add3A_4 = arith.addi %add3A_1, %mul3A_3 : i32
    %mul3A_5 = arith.constant 100 : i32
    %mul3A_6 = arith.muli %add3A_4, %mul3A_5 : i32
    "tpu.region"() ({
      %run_scoped3A = memref.alloca() : memref<2x1x256xi32, #tpu.memory_space<vmem>>
      %run_scoped3A_7 = tpu.sem_alloc : memref<2x!tpu.dma_semaphore, #tpu.memory_space<semaphore_mem>>
      %run_scoped3A_8 = memref.alloca() : memref<2x256x128xf32, #tpu.memory_space<vmem>>
      %run_scoped3A_9 = tpu.sem_alloc : memref<2x!tpu.dma_semaphore, #tpu.memory_space<semaphore_mem>>
      %add3A_10 = arith.constant 0 : i32
      %add3A_11 = arith.addi %add3A_10, %mul3A_6 : i32
      %select_n3A = arith.constant true
      %select_n3A_12 = arith.constant 0 : i32
      %select_n3A_13 = arith.constant -1 : i32
      %select_n3A_14 = arith.select %select_n3A, %select_n3A_13, %select_n3A_12 : i32
      %eq3A = arith.constant -1 : i32
      %eq3A_15 = arith.cmpi eq, %select_n3A_14, %eq3A : i32
      %select_n3A_16 = arith.constant 99 : i32
      %select_n3A_17 = arith.select %eq3A_15, %select_n3A_16, %select_n3A_14 : i32
      %add3A_18 = arith.addi %select_n3A_17, %mul3A_6 : i32
      %select_n3A_19 = arith.constant true
      %select_n3A_20 = arith.constant 0 : i32
      %select_n3A_21 = arith.constant 1 : i32
      %select_n3A_22 = arith.select %select_n3A_19, %select_n3A_21, %select_n3A_20 : i32
      %eq3A_23 = arith.constant 100 : i32
      %eq3A_24 = arith.cmpi eq, %select_n3A_22, %eq3A_23 : i32
      %select_n3A_25 = arith.constant 0 : i32
      %select_n3A_26 = arith.select %eq3A_24, %select_n3A_25, %select_n3A_22 : i32
      %add3A_27 = arith.addi %select_n3A_26, %mul3A_6 : i32
      %add3A_28 = arith.constant 1 : i32
      %add3A_29 = arith.addi %select_n3A_26, %add3A_28 : i32
      %select_n3A_30 = arith.constant true
      %select_n3A_31 = arith.select %select_n3A_30, %add3A_29, %select_n3A_26 : i32
      %eq3A_32 = arith.constant 100 : i32
      %eq3A_33 = arith.cmpi eq, %select_n3A_31, %eq3A_32 : i32
      %select_n3A_34 = arith.constant 0 : i32
      %select_n3A_35 = arith.select %eq3A_33, %select_n3A_34, %select_n3A_31 : i32
      %add3A_36 = arith.addi %select_n3A_35, %mul3A_6 : i32
      "tpu.trace_start"() <{level = 10 : i32, message = "ep_initialize_0"}> : () -> ()
      %rem3A = arith.constant 0 : i32
      %rem3A_37 = arith.constant 2 : i32
      %rem3A_38 = arith.remui %rem3A, %rem3A_37 : i32
      %mul3A_39 = arith.constant 256 : i32
      %mul3A_40 = arith.muli %mul3A_39, %add3A_11 : i32
      %dma_start3A = arith.constant 0 : i32
      %dma_start3A_41 = arith.constant 0 : i32
      %dma_start3A_42 = tpu.memref_slice %run_scoped3A[%rem3A_38, %dma_start3A, %dma_start3A_41] : memref<2x1x256xi32, #tpu.memory_space<vmem>> -> memref<1x1x256xi32, #tpu.memory_space<vmem>>
      %dma_start3A_43 = tpu.memref_squeeze %dma_start3A_42 : memref<1x1x256xi32, #tpu.memory_space<vmem>> -> memref<1x256xi32, #tpu.memory_space<vmem>>
      %dma_start3A_44 = arith.constant 0 : i32
      %dma_start3A_45 = tpu.memref_slice %arg3[%dma_start3A_44, %mul3A_40] : memref<1x819200xi32, #tpu.memory_space<hbm>> -> memref<1x256xi32, #tpu.memory_space<hbm>>
      %dma_start3A_46 = tpu.memref_slice %run_scoped3A_7[%rem3A_38] : memref<2x!tpu.dma_semaphore, #tpu.memory_space<semaphore_mem>> -> memref<1x!tpu.dma_semaphore, #tpu.memory_space<semaphore_mem>>
      %dma_start3A_47 = tpu.memref_squeeze %dma_start3A_46 : memref<1x!tpu.dma_semaphore, #tpu.memory_space<semaphore_mem>> -> memref<!tpu.dma_semaphore, #tpu.memory_space<semaphore_mem>>
      %dma_start3A_48 = arith.constant 0 : i32
      %dma_start3A_49 = arith.constant 0 : i32
      %dma_start3A_50 = tpu.memref_slice %run_scoped3A[%rem3A_38, %dma_start3A_48, %dma_start3A_49] : memref<2x1x256xi32, #tpu.memory_space<vmem>> -> memref<1x1x256xi32, #tpu.memory_space<vmem>>
      %dma_start3A_51 = tpu.memref_squeeze %dma_start3A_50 : memref<1x1x256xi32, #tpu.memory_space<vmem>> -> memref<1x256xi32, #tpu.memory_space<vmem>>
      %dma_start3A_52 = arith.constant 0 : i32
      %dma_start3A_53 = tpu.memref_slice %arg3[%dma_start3A_52, %mul3A_40] : memref<1x819200xi32, #tpu.memory_space<hbm>> -> memref<1x256xi32, #tpu.memory_space<hbm>>
      tpu.enqueue_dma source(%dma_start3A_53 : memref<1x256xi32, #tpu.memory_space<hbm>>) target(%dma_start3A_51 : memref<1x256xi32, #tpu.memory_space<vmem>>) target_semaphore(%dma_start3A_47 : memref<!tpu.dma_semaphore, #tpu.memory_space<semaphore_mem>>)
      %add3A_54 = arith.constant 0 : i32
      %add3A_55 = arith.constant 1 : i32
      %add3A_56 = arith.addi %add3A_54, %add3A_55 : i32
      %select_n3A_57 = arith.constant true
      %select_n3A_58 = arith.constant 0 : i32
      %select_n3A_59 = arith.select %select_n3A_57, %add3A_56, %select_n3A_58 : i32
      "tpu.trace_stop"() : () -> ()
      %scan3A = arith.constant 0 : i32
      %scan3A_60 = arith.constant 0 : i32
      %scan3A_61 = arith.constant 0 : i32
      %scan3A_62 = arith.constant 0 : i32
      %scan3A_63 = arith.constant 0 : i32
      %scan3A_64 = arith.constant 100 : i32
      %scan3A_65 = arith.addi %scan3A_63, %scan3A_64 : i32
      %scan3A_66 = arith.constant 1 : i32
      %scan3A_67:5 = scf.for %scan3A_121 = %scan3A_63 to %scan3A_65 step %scan3A_66 iter_args(%scan3A_122 = %select_n3A_59, %scan3A_123 = %scan3A, %scan3A_124 = %scan3A_60, %scan3A_125 = %scan3A_61, %scan3A_126 = %scan3A_62) -> (i32, i32, i32, i32, i32)  : i32 {
        %eq3A_127 = arith.constant 0 : i32
        %eq3A_128 = arith.cmpi eq, %scan3A_121, %eq3A_127 : i32
        %eq3A_129 = arith.constant 99 : i32
        %eq3A_130 = arith.cmpi eq, %scan3A_121, %eq3A_129 : i32
        %add3A_131 = arith.addi %scan3A_126, %mul3A_6 : i32
        %sub3A_132 = arith.constant 1 : i32
        %sub3A_133 = arith.subi %scan3A_126, %sub3A_132 : i32
        %select_n3A_134 = arith.constant true
        %select_n3A_135 = arith.select %select_n3A_134, %sub3A_133, %scan3A_126 : i32
        %eq3A_136 = arith.constant -1 : i32
        %eq3A_137 = arith.cmpi eq, %select_n3A_135, %eq3A_136 : i32
        %select_n3A_138 = arith.constant 99 : i32
        %select_n3A_139 = arith.select %eq3A_137, %select_n3A_138, %select_n3A_135 : i32
        %add3A_140 = arith.addi %select_n3A_139, %mul3A_6 : i32
        %add3A_141 = arith.constant 1 : i32
        %add3A_142 = arith.addi %scan3A_126, %add3A_141 : i32
        %select_n3A_143 = arith.constant true
        %select_n3A_144 = arith.select %select_n3A_143, %add3A_142, %scan3A_126 : i32
        %eq3A_145 = arith.constant 100 : i32
        %eq3A_146 = arith.cmpi eq, %select_n3A_144, %eq3A_145 : i32
        %select_n3A_147 = arith.constant 0 : i32
        %select_n3A_148 = arith.select %eq3A_146, %select_n3A_147, %select_n3A_144 : i32
        %add3A_149 = arith.addi %select_n3A_148, %mul3A_6 : i32
        %add3A_150 = arith.constant 1 : i32
        %add3A_151 = arith.addi %select_n3A_148, %add3A_150 : i32
        %select_n3A_152 = arith.constant true
        %select_n3A_153 = arith.select %select_n3A_152, %add3A_151, %select_n3A_148 : i32
        %eq3A_154 = arith.constant 100 : i32
        %eq3A_155 = arith.cmpi eq, %select_n3A_153, %eq3A_154 : i32
        %select_n3A_156 = arith.constant 0 : i32
        %select_n3A_157 = arith.select %eq3A_155, %select_n3A_156, %select_n3A_153 : i32
        %add3A_158 = arith.addi %select_n3A_157, %mul3A_6 : i32
        %ne3A = arith.cmpi ne, %add3A_131, %add3A_149 : i32
        %or3A = arith.constant false
        %or3A_159 = arith.ori %or3A, %ne3A : i1
        %ge3A = arith.constant 99 : i32
        %ge3A_160 = arith.cmpi sge, %scan3A_121, %ge3A : i32
        %not3A = arith.constant true
        %not3A_161 = arith.xori %ge3A_160, %not3A : i1
        %and3A = arith.andi %or3A_159, %not3A_161 : i1
        %convert_element_type3A = arith.extui %and3A : i1 to i32
        %cond3A = arith.constant 0 : i32
        %cond3A_162 = arith.cmpi ne, %convert_element_type3A, %cond3A : i32
        scf.if %cond3A_162 {
          "tpu.trace_start"() <{level = 10 : i32, message = "ep_copy_in"}> : () -> ()
          %rem3A_265 = arith.constant 2 : i32
          %rem3A_266 = arith.remui %scan3A_122, %rem3A_265 : i32
          %mul3A_267 = arith.constant 256 : i32
          %mul3A_268 = arith.muli %mul3A_267, %add3A_149 : i32
          %dma_start3A_269 = arith.constant 0 : i32
          %dma_start3A_270 = arith.constant 0 : i32
          %dma_start3A_271 = tpu.memref_slice %run_scoped3A[%rem3A_266, %dma_start3A_269, %dma_start3A_270] : memref<2x1x256xi32, #tpu.memory_space<vmem>> -> memref<1x1x256xi32, #tpu.memory_space<vmem>>
          %dma_start3A_272 = tpu.memref_squeeze %dma_start3A_271 : memref<1x1x256xi32, #tpu.memory_space<vmem>> -> memref<1x256xi32, #tpu.memory_space<vmem>>
          %dma_start3A_273 = arith.constant 0 : i32
          %dma_start3A_274 = tpu.memref_slice %arg3[%dma_start3A_273, %mul3A_268] : memref<1x819200xi32, #tpu.memory_space<hbm>> -> memref<1x256xi32, #tpu.memory_space<hbm>>
          %dma_start3A_275 = tpu.memref_slice %run_scoped3A_7[%rem3A_266] : memref<2x!tpu.dma_semaphore, #tpu.memory_space<semaphore_mem>> -> memref<1x!tpu.dma_semaphore, #tpu.memory_space<semaphore_mem>>
          %dma_start3A_276 = tpu.memref_squeeze %dma_start3A_275 : memref<1x!tpu.dma_semaphore, #tpu.memory_space<semaphore_mem>> -> memref<!tpu.dma_semaphore, #tpu.memory_space<semaphore_mem>>
          %dma_start3A_277 = arith.constant 0 : i32
          %dma_start3A_278 = arith.constant 0 : i32
          %dma_start3A_279 = tpu.memref_slice %run_scoped3A[%rem3A_266, %dma_start3A_277, %dma_start3A_278] : memref<2x1x256xi32, #tpu.memory_space<vmem>> -> memref<1x1x256xi32, #tpu.memory_space<vmem>>
          %dma_start3A_280 = tpu.memref_squeeze %dma_start3A_279 : memref<1x1x256xi32, #tpu.memory_space<vmem>> -> memref<1x256xi32, #tpu.memory_space<vmem>>
          %dma_start3A_281 = arith.constant 0 : i32
          %dma_start3A_282 = tpu.memref_slice %arg3[%dma_start3A_281, %mul3A_268] : memref<1x819200xi32, #tpu.memory_space<hbm>> -> memref<1x256xi32, #tpu.memory_space<hbm>>
          tpu.enqueue_dma source(%dma_start3A_282 : memref<1x256xi32, #tpu.memory_space<hbm>>) target(%dma_start3A_280 : memref<1x256xi32, #tpu.memory_space<vmem>>) target_semaphore(%dma_start3A_276 : memref<!tpu.dma_semaphore, #tpu.memory_space<semaphore_mem>>)
          "tpu.trace_stop"() : () -> ()
        } else {
        }
        %and3A_163 = arith.constant true
        %and3A_164 = arith.andi %and3A, %and3A_163 : i1
        %add3A_165 = arith.constant 1 : i32
        %add3A_166 = arith.addi %scan3A_122, %add3A_165 : i32
        %select_n3A_167 = arith.select %and3A_164, %add3A_166, %scan3A_122 : i32
        %ne3A_168 = arith.cmpi ne, %add3A_131, %add3A_149 : i32
        %or3A_169 = arith.constant false
        %or3A_170 = arith.ori %or3A_169, %ne3A_168 : i1
        %or3A_171 = arith.constant false
        %or3A_172 = arith.ori %or3A_170, %or3A_171 : i1
        %ge3A_173 = arith.constant 99 : i32
        %ge3A_174 = arith.cmpi sge, %scan3A_121, %ge3A_173 : i32
        %not3A_175 = arith.constant true
        %not3A_176 = arith.xori %ge3A_174, %not3A_175 : i1
        %and3A_177 = arith.andi %or3A_172, %not3A_176 : i1
        %ne3A_178 = arith.cmpi ne, %add3A_131, %add3A_140 : i32
        %or3A_179 = arith.constant false
        %or3A_180 = arith.ori %or3A_179, %ne3A_178 : i1
        %or3A_181 = arith.ori %or3A_180, %eq3A_128 : i1
        %convert_element_type3A_182 = arith.extui %or3A_181 : i1 to i32
        %cond3A_183 = arith.constant 0 : i32
        %cond3A_184 = arith.cmpi ne, %convert_element_type3A_182, %cond3A_183 : i32
        scf.if %cond3A_184 {
          "tpu.trace_start"() <{level = 10 : i32, message = "ep_wait_in"}> : () -> ()
          %mul3A_265 = arith.constant 256 : i32
          %mul3A_266 = arith.muli %mul3A_265, %add3A_131 : i32
          %rem3A_267 = arith.constant 2 : i32
          %rem3A_268 = arith.remui %scan3A_123, %rem3A_267 : i32
          %dma_wait3A_269 = arith.constant 0 : i32
          %dma_wait3A_270 = arith.constant 0 : i32
          %dma_wait3A_271 = tpu.memref_slice %run_scoped3A[%rem3A_268, %dma_wait3A_269, %dma_wait3A_270] : memref<2x1x256xi32, #tpu.memory_space<vmem>> -> memref<1x1x256xi32, #tpu.memory_space<vmem>>
          %dma_wait3A_272 = tpu.memref_squeeze %dma_wait3A_271 : memref<1x1x256xi32, #tpu.memory_space<vmem>> -> memref<1x256xi32, #tpu.memory_space<vmem>>
          %dma_wait3A_273 = arith.constant 0 : i32
          %dma_wait3A_274 = tpu.memref_slice %arg3[%dma_wait3A_273, %mul3A_266] : memref<1x819200xi32, #tpu.memory_space<hbm>> -> memref<1x256xi32, #tpu.memory_space<hbm>>
          %dma_wait3A_275 = tpu.memref_slice %run_scoped3A_7[%rem3A_268] : memref<2x!tpu.dma_semaphore, #tpu.memory_space<semaphore_mem>> -> memref<1x!tpu.dma_semaphore, #tpu.memory_space<semaphore_mem>>
          %dma_wait3A_276 = tpu.memref_squeeze %dma_wait3A_275 : memref<1x!tpu.dma_semaphore, #tpu.memory_space<semaphore_mem>> -> memref<!tpu.dma_semaphore, #tpu.memory_space<semaphore_mem>>
          %dma_wait3A_277 = arith.constant 0 : i32
          %dma_wait3A_278 = arith.constant 0 : i32
          %dma_wait3A_279 = tpu.memref_slice %run_scoped3A[%rem3A_268, %dma_wait3A_277, %dma_wait3A_278] : memref<2x1x256xi32, #tpu.memory_space<vmem>> -> memref<1x1x256xi32, #tpu.memory_space<vmem>>
          %dma_wait3A_280 = tpu.memref_squeeze %dma_wait3A_279 : memref<1x1x256xi32, #tpu.memory_space<vmem>> -> memref<1x256xi32, #tpu.memory_space<vmem>>
          %dma_wait3A_281 = arith.constant 0 : i32
          %dma_wait3A_282 = tpu.memref_slice %arg3[%dma_wait3A_281, %mul3A_266] : memref<1x819200xi32, #tpu.memory_space<hbm>> -> memref<1x256xi32, #tpu.memory_space<hbm>>
          tpu.wait_dma2 semaphore(%dma_wait3A_276 : memref<!tpu.dma_semaphore, #tpu.memory_space<semaphore_mem>>) src(%dma_wait3A_282 : memref<1x256xi32, #tpu.memory_space<hbm>>) dst(%dma_wait3A_280 : memref<1x256xi32, #tpu.memory_space<vmem>>)
          "tpu.trace_stop"() : () -> ()
        } else {
        }
        %ne3A_185 = arith.cmpi ne, %add3A_131, %add3A_140 : i32
        %or3A_186 = arith.constant false
        %or3A_187 = arith.ori %or3A_186, %ne3A_185 : i1
        %or3A_188 = arith.constant false
        %or3A_189 = arith.ori %or3A_187, %or3A_188 : i1
        %or3A_190 = arith.ori %or3A_189, %eq3A_128 : i1
        %convert_element_type3A_191 = arith.extui %or3A_190 : i1 to i32
        %cond3A_192 = arith.constant 0 : i32
        %cond3A_193 = arith.cmpi ne, %convert_element_type3A_191, %cond3A_192 : i32
        scf.if %cond3A_193 {
        } else {
        }
        %rem3A_194 = arith.constant 2 : i32
        %rem3A_195 = arith.remui %scan3A_123, %rem3A_194 : i32
        %rem3A_196 = arith.constant 2 : i32
        %rem3A_197 = arith.remui %scan3A_124, %rem3A_196 : i32
        %run_scoped3A_198 = arith.constant 0 : i32
        "tpu.trace_start"() <{level = 10 : i32, message = "ep_run_kernel"}> : () -> ()
        "tpu.region"() ({
          %run_scoped3A_265 = tpu.sem_alloc : memref<!tpu.dma_semaphore, #tpu.memory_space<semaphore_mem>>
          %dma_start3A_266 = arith.constant 0 : i32
          %dma_start3A_267 = arith.constant 0 : i32
          %dma_start3A_268 = tpu.memref_slice %run_scoped3A_8[%rem3A_197, %dma_start3A_266, %dma_start3A_267] : memref<2x256x128xf32, #tpu.memory_space<vmem>> -> memref<1x256x128xf32, #tpu.memory_space<vmem>>
          %dma_start3A_269 = tpu.memref_squeeze %dma_start3A_268 : memref<1x256x128xf32, #tpu.memory_space<vmem>> -> memref<256x128xf32, #tpu.memory_space<vmem>>
          %dma_start3A_270 = arith.constant 0 : i32
          %dma_start3A_271 = arith.constant 0 : i32
          %dma_start3A_272 = tpu.memref_slice %dma_start3A_269[%dma_start3A_270, %dma_start3A_271] : memref<256x128xf32, #tpu.memory_space<vmem>> -> memref<128x128xf32, #tpu.memory_space<vmem>>
          %dma_start3A_273 = arith.constant 0 : i32
          %dma_start3A_274 = arith.constant 0 : i32
          %dma_start3A_275 = tpu.memref_slice %run_scoped3A[%rem3A_195, %dma_start3A_273, %dma_start3A_274] : memref<2x1x256xi32, #tpu.memory_space<vmem>> -> memref<1x1x256xi32, #tpu.memory_space<vmem>>
          %dma_start3A_276 = tpu.memref_squeeze %dma_start3A_275 : memref<1x1x256xi32, #tpu.memory_space<vmem>> -> memref<1x256xi32, #tpu.memory_space<vmem>>
          %dma_start3A_277 = arith.constant 0 : i32
          %dma_start3A_278 = tpu.memref_slice %dma_start3A_276[%run_scoped3A_198, %dma_start3A_277] : memref<1x256xi32, #tpu.memory_space<vmem>> -> memref<1x128xi32, #tpu.memory_space<vmem>>
          %dma_start3A_279 = tpu.memref_squeeze %dma_start3A_278 : memref<1x128xi32, #tpu.memory_space<vmem>> -> memref<128xi32, #tpu.memory_space<vmem>>
          %dma_start3A_280 = arith.constant 0 : i32
          %dma_start3A_281 = arith.constant 0 : i32
          %dma_start3A_282 = tpu.memref_slice %arg2[%dma_start3A_280, %dma_start3A_281] : memref<1015808x128xf32, #tpu.memory_space<hbm>> -> memref<1015808x128xf32, #tpu.memory_space<hbm>>
          tpu.enqueue_indirect_dma source(%dma_start3A_282 : memref<1015808x128xf32, #tpu.memory_space<hbm>>) target(%dma_start3A_272 : memref<128x128xf32, #tpu.memory_space<vmem>>) offsets(%dma_start3A_279 : memref<128xi32, #tpu.memory_space<vmem>>) semaphore(%run_scoped3A_265 : memref<!tpu.dma_semaphore, #tpu.memory_space<semaphore_mem>>)
          %dma_wait3A_283 = arith.constant 0 : i32
          %dma_wait3A_284 = arith.constant 0 : i32
          %dma_wait3A_285 = tpu.memref_slice %run_scoped3A_8[%rem3A_197, %dma_wait3A_283, %dma_wait3A_284] : memref<2x256x128xf32, #tpu.memory_space<vmem>> -> memref<1x256x128xf32, #tpu.memory_space<vmem>>
          %dma_wait3A_286 = tpu.memref_squeeze %dma_wait3A_285 : memref<1x256x128xf32, #tpu.memory_space<vmem>> -> memref<256x128xf32, #tpu.memory_space<vmem>>
          %dma_wait3A_287 = arith.constant 0 : i32
          %dma_wait3A_288 = arith.constant 0 : i32
          %dma_wait3A_289 = tpu.memref_slice %dma_wait3A_286[%dma_wait3A_287, %dma_wait3A_288] : memref<256x128xf32, #tpu.memory_space<vmem>> -> memref<128x128xf32, #tpu.memory_space<vmem>>
          %dma_wait3A_290 = arith.constant 0 : i32
          %dma_wait3A_291 = arith.constant 0 : i32
          %dma_wait3A_292 = tpu.memref_slice %run_scoped3A[%rem3A_195, %dma_wait3A_290, %dma_wait3A_291] : memref<2x1x256xi32, #tpu.memory_space<vmem>> -> memref<1x1x256xi32, #tpu.memory_space<vmem>>
          %dma_wait3A_293 = tpu.memref_squeeze %dma_wait3A_292 : memref<1x1x256xi32, #tpu.memory_space<vmem>> -> memref<1x256xi32, #tpu.memory_space<vmem>>
          %dma_wait3A_294 = arith.constant 0 : i32
          %dma_wait3A_295 = tpu.memref_slice %dma_wait3A_293[%run_scoped3A_198, %dma_wait3A_294] : memref<1x256xi32, #tpu.memory_space<vmem>> -> memref<1x128xi32, #tpu.memory_space<vmem>>
          %dma_wait3A_296 = tpu.memref_squeeze %dma_wait3A_295 : memref<1x128xi32, #tpu.memory_space<vmem>> -> memref<128xi32, #tpu.memory_space<vmem>>
          %dma_wait3A_297 = arith.constant 0 : i32
          %dma_wait3A_298 = arith.constant 0 : i32
          %dma_wait3A_299 = tpu.memref_slice %arg2[%dma_wait3A_297, %dma_wait3A_298] : memref<1015808x128xf32, #tpu.memory_space<hbm>> -> memref<1015808x128xf32, #tpu.memory_space<hbm>>
          tpu.wait_indirect_dma semaphore(%run_scoped3A_265 : memref<!tpu.dma_semaphore, #tpu.memory_space<semaphore_mem>>) src(%dma_wait3A_299 : memref<1015808x128xf32, #tpu.memory_space<hbm>>) dst(%dma_wait3A_289 : memref<128x128xf32, #tpu.memory_space<vmem>>)
          tpu.yield
        }) : () -> ()
        %run_scoped3A_199 = arith.constant 0 : i32
        "tpu.region"() ({
          %run_scoped3A_265 = tpu.sem_alloc : memref<!tpu.dma_semaphore, #tpu.memory_space<semaphore_mem>>
          %dma_start3A_266 = arith.constant 0 : i32
          %dma_start3A_267 = arith.constant 0 : i32
          %dma_start3A_268 = tpu.memref_slice %run_scoped3A_8[%rem3A_197, %dma_start3A_266, %dma_start3A_267] : memref<2x256x128xf32, #tpu.memory_space<vmem>> -> memref<1x256x128xf32, #tpu.memory_space<vmem>>
          %dma_start3A_269 = tpu.memref_squeeze %dma_start3A_268 : memref<1x256x128xf32, #tpu.memory_space<vmem>> -> memref<256x128xf32, #tpu.memory_space<vmem>>
          %dma_start3A_270 = arith.constant 128 : i32
          %dma_start3A_271 = arith.constant 0 : i32
          %dma_start3A_272 = tpu.memref_slice %dma_start3A_269[%dma_start3A_270, %dma_start3A_271] : memref<256x128xf32, #tpu.memory_space<vmem>> -> memref<128x128xf32, #tpu.memory_space<vmem>>
          %dma_start3A_273 = arith.constant 0 : i32
          %dma_start3A_274 = arith.constant 0 : i32
          %dma_start3A_275 = tpu.memref_slice %run_scoped3A[%rem3A_195, %dma_start3A_273, %dma_start3A_274] : memref<2x1x256xi32, #tpu.memory_space<vmem>> -> memref<1x1x256xi32, #tpu.memory_space<vmem>>
          %dma_start3A_276 = tpu.memref_squeeze %dma_start3A_275 : memref<1x1x256xi32, #tpu.memory_space<vmem>> -> memref<1x256xi32, #tpu.memory_space<vmem>>
          %dma_start3A_277 = arith.constant 128 : i32
          %dma_start3A_278 = tpu.memref_slice %dma_start3A_276[%run_scoped3A_199, %dma_start3A_277] : memref<1x256xi32, #tpu.memory_space<vmem>> -> memref<1x128xi32, #tpu.memory_space<vmem>>
          %dma_start3A_279 = tpu.memref_squeeze %dma_start3A_278 : memref<1x128xi32, #tpu.memory_space<vmem>> -> memref<128xi32, #tpu.memory_space<vmem>>
          %dma_start3A_280 = arith.constant 0 : i32
          %dma_start3A_281 = arith.constant 0 : i32
          %dma_start3A_282 = tpu.memref_slice %arg2[%dma_start3A_280, %dma_start3A_281] : memref<1015808x128xf32, #tpu.memory_space<hbm>> -> memref<1015808x128xf32, #tpu.memory_space<hbm>>
          tpu.enqueue_indirect_dma source(%dma_start3A_282 : memref<1015808x128xf32, #tpu.memory_space<hbm>>) target(%dma_start3A_272 : memref<128x128xf32, #tpu.memory_space<vmem>>) offsets(%dma_start3A_279 : memref<128xi32, #tpu.memory_space<vmem>>) semaphore(%run_scoped3A_265 : memref<!tpu.dma_semaphore, #tpu.memory_space<semaphore_mem>>)
          %dma_wait3A_283 = arith.constant 0 : i32
          %dma_wait3A_284 = arith.constant 0 : i32
          %dma_wait3A_285 = tpu.memref_slice %run_scoped3A_8[%rem3A_197, %dma_wait3A_283, %dma_wait3A_284] : memref<2x256x128xf32, #tpu.memory_space<vmem>> -> memref<1x256x128xf32, #tpu.memory_space<vmem>>
          %dma_wait3A_286 = tpu.memref_squeeze %dma_wait3A_285 : memref<1x256x128xf32, #tpu.memory_space<vmem>> -> memref<256x128xf32, #tpu.memory_space<vmem>>
          %dma_wait3A_287 = arith.constant 128 : i32
          %dma_wait3A_288 = arith.constant 0 : i32
          %dma_wait3A_289 = tpu.memref_slice %dma_wait3A_286[%dma_wait3A_287, %dma_wait3A_288] : memref<256x128xf32, #tpu.memory_space<vmem>> -> memref<128x128xf32, #tpu.memory_space<vmem>>
          %dma_wait3A_290 = arith.constant 0 : i32
          %dma_wait3A_291 = arith.constant 0 : i32
          %dma_wait3A_292 = tpu.memref_slice %run_scoped3A[%rem3A_195, %dma_wait3A_290, %dma_wait3A_291] : memref<2x1x256xi32, #tpu.memory_space<vmem>> -> memref<1x1x256xi32, #tpu.memory_space<vmem>>
          %dma_wait3A_293 = tpu.memref_squeeze %dma_wait3A_292 : memref<1x1x256xi32, #tpu.memory_space<vmem>> -> memref<1x256xi32, #tpu.memory_space<vmem>>
          %dma_wait3A_294 = arith.constant 128 : i32
          %dma_wait3A_295 = tpu.memref_slice %dma_wait3A_293[%run_scoped3A_199, %dma_wait3A_294] : memref<1x256xi32, #tpu.memory_space<vmem>> -> memref<1x128xi32, #tpu.memory_space<vmem>>
          %dma_wait3A_296 = tpu.memref_squeeze %dma_wait3A_295 : memref<1x128xi32, #tpu.memory_space<vmem>> -> memref<128xi32, #tpu.memory_space<vmem>>
          %dma_wait3A_297 = arith.constant 0 : i32
          %dma_wait3A_298 = arith.constant 0 : i32
          %dma_wait3A_299 = tpu.memref_slice %arg2[%dma_wait3A_297, %dma_wait3A_298] : memref<1015808x128xf32, #tpu.memory_space<hbm>> -> memref<1015808x128xf32, #tpu.memory_space<hbm>>
          tpu.wait_indirect_dma semaphore(%run_scoped3A_265 : memref<!tpu.dma_semaphore, #tpu.memory_space<semaphore_mem>>) src(%dma_wait3A_299 : memref<1015808x128xf32, #tpu.memory_space<hbm>>) dst(%dma_wait3A_289 : memref<128x128xf32, #tpu.memory_space<vmem>>)
          tpu.yield
        }) : () -> ()
        "tpu.trace_stop"() : () -> ()
        %ne3A_200 = arith.cmpi ne, %add3A_131, %add3A_149 : i32
        %or3A_201 = arith.constant false
        %or3A_202 = arith.ori %or3A_201, %ne3A_200 : i1
        %or3A_203 = arith.ori %or3A_202, %eq3A_130 : i1
        %convert_element_type3A_204 = arith.extui %or3A_203 : i1 to i32
        %cond3A_205 = arith.constant 0 : i32
        %cond3A_206 = arith.cmpi ne, %convert_element_type3A_204, %cond3A_205 : i32
        scf.if %cond3A_206 {
        } else {
        }
        %and3A_207 = arith.constant false
        %and3A_208 = arith.andi %or3A_203, %and3A_207 : i1
        %ne3A_209 = arith.cmpi ne, %add3A_131, %add3A_149 : i32
        %or3A_210 = arith.constant false
        %or3A_211 = arith.ori %or3A_210, %ne3A_209 : i1
        %or3A_212 = arith.constant false
        %or3A_213 = arith.ori %or3A_211, %or3A_212 : i1
        %or3A_214 = arith.ori %or3A_213, %eq3A_130 : i1
        %convert_element_type3A_215 = arith.extui %or3A_214 : i1 to i32
        %cond3A_216 = arith.constant 0 : i32
        %cond3A_217 = arith.cmpi ne, %convert_element_type3A_215, %cond3A_216 : i32
        scf.if %cond3A_217 {
          "tpu.trace_start"() <{level = 10 : i32, message = "ep_copy_out"}> : () -> ()
          %rem3A_265 = arith.constant 2 : i32
          %rem3A_266 = arith.remui %scan3A_124, %rem3A_265 : i32
          %mul3A_267 = arith.constant 256 : i32
          %mul3A_268 = arith.muli %mul3A_267, %add3A_131 : i32
          %dma_start3A_269 = arith.constant 0 : i32
          %dma_start3A_270 = arith.constant 0 : i32
          %dma_start3A_271 = tpu.memref_slice %run_scoped3A_8[%rem3A_266, %dma_start3A_269, %dma_start3A_270] : memref<2x256x128xf32, #tpu.memory_space<vmem>> -> memref<1x256x128xf32, #tpu.memory_space<vmem>>
          %dma_start3A_272 = tpu.memref_squeeze %dma_start3A_271 : memref<1x256x128xf32, #tpu.memory_space<vmem>> -> memref<256x128xf32, #tpu.memory_space<vmem>>
          %dma_start3A_273 = arith.constant 0 : i32
          %dma_start3A_274 = tpu.memref_slice %arg4[%mul3A_268, %dma_start3A_273] : memref<819200x128xf32, #tpu.memory_space<hbm>> -> memref<256x128xf32, #tpu.memory_space<hbm>>
          %dma_start3A_275 = tpu.memref_slice %run_scoped3A_9[%rem3A_266] : memref<2x!tpu.dma_semaphore, #tpu.memory_space<semaphore_mem>> -> memref<1x!tpu.dma_semaphore, #tpu.memory_space<semaphore_mem>>
          %dma_start3A_276 = tpu.memref_squeeze %dma_start3A_275 : memref<1x!tpu.dma_semaphore, #tpu.memory_space<semaphore_mem>> -> memref<!tpu.dma_semaphore, #tpu.memory_space<semaphore_mem>>
          %dma_start3A_277 = arith.constant 0 : i32
          %dma_start3A_278 = tpu.memref_slice %arg4[%mul3A_268, %dma_start3A_277] : memref<819200x128xf32, #tpu.memory_space<hbm>> -> memref<256x128xf32, #tpu.memory_space<hbm>>
          %dma_start3A_279 = arith.constant 0 : i32
          %dma_start3A_280 = arith.constant 0 : i32
          %dma_start3A_281 = tpu.memref_slice %run_scoped3A_8[%rem3A_266, %dma_start3A_279, %dma_start3A_280] : memref<2x256x128xf32, #tpu.memory_space<vmem>> -> memref<1x256x128xf32, #tpu.memory_space<vmem>>
          %dma_start3A_282 = tpu.memref_squeeze %dma_start3A_281 : memref<1x256x128xf32, #tpu.memory_space<vmem>> -> memref<256x128xf32, #tpu.memory_space<vmem>>
          tpu.enqueue_dma source(%dma_start3A_282 : memref<256x128xf32, #tpu.memory_space<vmem>>) target(%dma_start3A_278 : memref<256x128xf32, #tpu.memory_space<hbm>>) target_semaphore(%dma_start3A_276 : memref<!tpu.dma_semaphore, #tpu.memory_space<semaphore_mem>>)
          "tpu.trace_stop"() : () -> ()
        } else {
        }
        %and3A_218 = arith.constant true
        %and3A_219 = arith.andi %or3A_214, %and3A_218 : i1
        %add3A_220 = arith.constant 1 : i32
        %add3A_221 = arith.addi %scan3A_124, %add3A_220 : i32
        %select_n3A_222 = arith.select %and3A_219, %add3A_221, %scan3A_124 : i32
        %ne3A_223 = arith.cmpi ne, %add3A_131, %add3A_140 : i32
        %or3A_224 = arith.constant false
        %or3A_225 = arith.ori %or3A_224, %ne3A_223 : i1
        %not3A_226 = arith.constant true
        %not3A_227 = arith.xori %eq3A_128, %not3A_226 : i1
        %and3A_228 = arith.andi %or3A_225, %not3A_227 : i1
        %convert_element_type3A_229 = arith.extui %and3A_228 : i1 to i32
        %cond3A_230 = arith.constant 0 : i32
        %cond3A_231 = arith.cmpi ne, %convert_element_type3A_229, %cond3A_230 : i32
        scf.if %cond3A_231 {
        } else {
        }
        %and3A_232 = arith.constant false
        %and3A_233 = arith.andi %and3A_228, %and3A_232 : i1
        %ne3A_234 = arith.cmpi ne, %add3A_131, %add3A_140 : i32
        %or3A_235 = arith.constant false
        %or3A_236 = arith.ori %or3A_235, %ne3A_234 : i1
        %or3A_237 = arith.constant false
        %or3A_238 = arith.ori %or3A_236, %or3A_237 : i1
        %not3A_239 = arith.constant true
        %not3A_240 = arith.xori %eq3A_128, %not3A_239 : i1
        %and3A_241 = arith.andi %or3A_238, %not3A_240 : i1
        %convert_element_type3A_242 = arith.extui %and3A_241 : i1 to i32
        %cond3A_243 = arith.constant 0 : i32
        %cond3A_244 = arith.cmpi ne, %convert_element_type3A_242, %cond3A_243 : i32
        scf.if %cond3A_244 {
          "tpu.trace_start"() <{level = 10 : i32, message = "ep_wait_out"}> : () -> ()
          %rem3A_265 = arith.constant 2 : i32
          %rem3A_266 = arith.remui %scan3A_125, %rem3A_265 : i32
          %mul3A_267 = arith.constant 256 : i32
          %mul3A_268 = arith.muli %mul3A_267, %add3A_140 : i32
          %dma_wait3A_269 = arith.constant 0 : i32
          %dma_wait3A_270 = arith.constant 0 : i32
          %dma_wait3A_271 = tpu.memref_slice %run_scoped3A_8[%rem3A_266, %dma_wait3A_269, %dma_wait3A_270] : memref<2x256x128xf32, #tpu.memory_space<vmem>> -> memref<1x256x128xf32, #tpu.memory_space<vmem>>
          %dma_wait3A_272 = tpu.memref_squeeze %dma_wait3A_271 : memref<1x256x128xf32, #tpu.memory_space<vmem>> -> memref<256x128xf32, #tpu.memory_space<vmem>>
          %dma_wait3A_273 = arith.constant 0 : i32
          %dma_wait3A_274 = tpu.memref_slice %arg4[%mul3A_268, %dma_wait3A_273] : memref<819200x128xf32, #tpu.memory_space<hbm>> -> memref<256x128xf32, #tpu.memory_space<hbm>>
          %dma_wait3A_275 = tpu.memref_slice %run_scoped3A_9[%rem3A_266] : memref<2x!tpu.dma_semaphore, #tpu.memory_space<semaphore_mem>> -> memref<1x!tpu.dma_semaphore, #tpu.memory_space<semaphore_mem>>
          %dma_wait3A_276 = tpu.memref_squeeze %dma_wait3A_275 : memref<1x!tpu.dma_semaphore, #tpu.memory_space<semaphore_mem>> -> memref<!tpu.dma_semaphore, #tpu.memory_space<semaphore_mem>>
          %dma_wait3A_277 = arith.constant 0 : i32
          %dma_wait3A_278 = tpu.memref_slice %arg4[%mul3A_268, %dma_wait3A_277] : memref<819200x128xf32, #tpu.memory_space<hbm>> -> memref<256x128xf32, #tpu.memory_space<hbm>>
          %dma_wait3A_279 = arith.constant 0 : i32
          %dma_wait3A_280 = arith.constant 0 : i32
          %dma_wait3A_281 = tpu.memref_slice %run_scoped3A_8[%rem3A_266, %dma_wait3A_279, %dma_wait3A_280] : memref<2x256x128xf32, #tpu.memory_space<vmem>> -> memref<1x256x128xf32, #tpu.memory_space<vmem>>
          %dma_wait3A_282 = tpu.memref_squeeze %dma_wait3A_281 : memref<1x256x128xf32, #tpu.memory_space<vmem>> -> memref<256x128xf32, #tpu.memory_space<vmem>>
          tpu.wait_dma2 semaphore(%dma_wait3A_276 : memref<!tpu.dma_semaphore, #tpu.memory_space<semaphore_mem>>) src(%dma_wait3A_282 : memref<256x128xf32, #tpu.memory_space<vmem>>) dst(%dma_wait3A_278 : memref<256x128xf32, #tpu.memory_space<hbm>>)
          "tpu.trace_stop"() : () -> ()
        } else {
        }
        %and3A_245 = arith.constant true
        %and3A_246 = arith.andi %and3A_241, %and3A_245 : i1
        %add3A_247 = arith.constant 1 : i32
        %add3A_248 = arith.addi %scan3A_125, %add3A_247 : i32
        %select_n3A_249 = arith.select %and3A_246, %add3A_248, %scan3A_125 : i32
        %ne3A_250 = arith.cmpi ne, %add3A_131, %add3A_149 : i32
        %or3A_251 = arith.constant false
        %or3A_252 = arith.ori %or3A_251, %ne3A_250 : i1
        %or3A_253 = arith.ori %or3A_252, %eq3A_130 : i1
        %add3A_254 = arith.constant 1 : i32
        %add3A_255 = arith.addi %scan3A_123, %add3A_254 : i32
        %select_n3A_256 = arith.select %or3A_253, %add3A_255, %scan3A_123 : i32
        %add3A_257 = arith.constant 1 : i32
        %add3A_258 = arith.addi %scan3A_126, %add3A_257 : i32
        %select_n3A_259 = arith.constant true
        %select_n3A_260 = arith.select %select_n3A_259, %add3A_258, %scan3A_126 : i32
        %eq3A_261 = arith.constant 100 : i32
        %eq3A_262 = arith.cmpi eq, %select_n3A_260, %eq3A_261 : i32
        %select_n3A_263 = arith.constant 0 : i32
        %select_n3A_264 = arith.select %eq3A_262, %select_n3A_263, %select_n3A_260 : i32
        scf.yield %select_n3A_167, %select_n3A_256, %select_n3A_222, %select_n3A_249, %select_n3A_264 : i32, i32, i32, i32, i32
      }
      %scan3A_68 = arith.constant 100 : i32
      %sub3A = arith.constant 1 : i32
      %sub3A_69 = arith.subi %scan3A_67#4, %sub3A : i32
      %select_n3A_70 = arith.constant true
      %select_n3A_71 = arith.select %select_n3A_70, %sub3A_69, %scan3A_67#4 : i32
      %eq3A_72 = arith.constant -1 : i32
      %eq3A_73 = arith.cmpi eq, %select_n3A_71, %eq3A_72 : i32
      %select_n3A_74 = arith.constant 99 : i32
      %select_n3A_75 = arith.select %eq3A_73, %select_n3A_74, %select_n3A_71 : i32
      %add3A_76 = arith.addi %select_n3A_75, %mul3A_6 : i32
      %sub3A_77 = arith.constant 1 : i32
      %sub3A_78 = arith.subi %select_n3A_75, %sub3A_77 : i32
      %select_n3A_79 = arith.constant true
      %select_n3A_80 = arith.select %select_n3A_79, %sub3A_78, %select_n3A_75 : i32
      %eq3A_81 = arith.constant -1 : i32
      %eq3A_82 = arith.cmpi eq, %select_n3A_80, %eq3A_81 : i32
      %select_n3A_83 = arith.constant 99 : i32
      %select_n3A_84 = arith.select %eq3A_82, %select_n3A_83, %select_n3A_80 : i32
      %add3A_85 = arith.addi %select_n3A_84, %mul3A_6 : i32
      %add3A_86 = arith.constant 1 : i32
      %add3A_87 = arith.addi %select_n3A_75, %add3A_86 : i32
      %select_n3A_88 = arith.constant true
      %select_n3A_89 = arith.select %select_n3A_88, %add3A_87, %select_n3A_75 : i32
      %eq3A_90 = arith.constant 100 : i32
      %eq3A_91 = arith.cmpi eq, %select_n3A_89, %eq3A_90 : i32
      %select_n3A_92 = arith.constant 0 : i32
      %select_n3A_93 = arith.select %eq3A_91, %select_n3A_92, %select_n3A_89 : i32
      %add3A_94 = arith.addi %select_n3A_93, %mul3A_6 : i32
      %add3A_95 = arith.constant 1 : i32
      %add3A_96 = arith.addi %select_n3A_93, %add3A_95 : i32
      %select_n3A_97 = arith.constant true
      %select_n3A_98 = arith.select %select_n3A_97, %add3A_96, %select_n3A_93 : i32
      %eq3A_99 = arith.constant 100 : i32
      %eq3A_100 = arith.cmpi eq, %select_n3A_98, %eq3A_99 : i32
      %select_n3A_101 = arith.constant 0 : i32
      %select_n3A_102 = arith.select %eq3A_100, %select_n3A_101, %select_n3A_98 : i32
      %add3A_103 = arith.addi %select_n3A_102, %mul3A_6 : i32
      "tpu.trace_start"() <{level = 10 : i32, message = "ep_finalize"}> : () -> ()
      %rem3A_104 = arith.constant 2 : i32
      %rem3A_105 = arith.remui %scan3A_67#3, %rem3A_104 : i32
      %mul3A_106 = arith.constant 256 : i32
      %mul3A_107 = arith.muli %mul3A_106, %add3A_76 : i32
      %dma_wait3A = arith.constant 0 : i32
      %dma_wait3A_108 = arith.constant 0 : i32
      %dma_wait3A_109 = tpu.memref_slice %run_scoped3A_8[%rem3A_105, %dma_wait3A, %dma_wait3A_108] : memref<2x256x128xf32, #tpu.memory_space<vmem>> -> memref<1x256x128xf32, #tpu.memory_space<vmem>>
      %dma_wait3A_110 = tpu.memref_squeeze %dma_wait3A_109 : memref<1x256x128xf32, #tpu.memory_space<vmem>> -> memref<256x128xf32, #tpu.memory_space<vmem>>
      %dma_wait3A_111 = arith.constant 0 : i32
      %dma_wait3A_112 = tpu.memref_slice %arg4[%mul3A_107, %dma_wait3A_111] : memref<819200x128xf32, #tpu.memory_space<hbm>> -> memref<256x128xf32, #tpu.memory_space<hbm>>
      %dma_wait3A_113 = tpu.memref_slice %run_scoped3A_9[%rem3A_105] : memref<2x!tpu.dma_semaphore, #tpu.memory_space<semaphore_mem>> -> memref<1x!tpu.dma_semaphore, #tpu.memory_space<semaphore_mem>>
      %dma_wait3A_114 = tpu.memref_squeeze %dma_wait3A_113 : memref<1x!tpu.dma_semaphore, #tpu.memory_space<semaphore_mem>> -> memref<!tpu.dma_semaphore, #tpu.memory_space<semaphore_mem>>
      %dma_wait3A_115 = arith.constant 0 : i32
      %dma_wait3A_116 = tpu.memref_slice %arg4[%mul3A_107, %dma_wait3A_115] : memref<819200x128xf32, #tpu.memory_space<hbm>> -> memref<256x128xf32, #tpu.memory_space<hbm>>
      %dma_wait3A_117 = arith.constant 0 : i32
      %dma_wait3A_118 = arith.constant 0 : i32
      %dma_wait3A_119 = tpu.memref_slice %run_scoped3A_8[%rem3A_105, %dma_wait3A_117, %dma_wait3A_118] : memref<2x256x128xf32, #tpu.memory_space<vmem>> -> memref<1x256x128xf32, #tpu.memory_space<vmem>>
      %dma_wait3A_120 = tpu.memref_squeeze %dma_wait3A_119 : memref<1x256x128xf32, #tpu.memory_space<vmem>> -> memref<256x128xf32, #tpu.memory_space<vmem>>
      tpu.wait_dma2 semaphore(%dma_wait3A_114 : memref<!tpu.dma_semaphore, #tpu.memory_space<semaphore_mem>>) src(%dma_wait3A_120 : memref<256x128xf32, #tpu.memory_space<vmem>>) dst(%dma_wait3A_116 : memref<256x128xf32, #tpu.memory_space<hbm>>)
      "tpu.trace_stop"() : () -> ()
      tpu.yield
    }) : () -> ()
    return
  }
}

module attributes {stable_mosaic.version = 14 : i64} {
  func.func @body(%arg0: i32, %arg1: memref<512x200xi32, #tpu.memory_space<vmem>>, %arg2: memref<512x200xi32, #tpu.memory_space<vmem>>) attributes {dimension_semantics = [#tpu.dimension_semantics<arbitrary>], iteration_bounds = array<i64: 8>, scalar_prefetch = 0 : i64, scratch_operands = 0 : i64, tpu.core_type = #tpu.core_type<tc>, window_params = [{transform_indices = @transform_0, window_bounds = array<i64: 512, 200>}, {transform_indices = @transform_1, window_bounds = array<i64: 512, 200>}]} {
    %get3A = arith.constant 0 : index
    %get3A_0 = arith.constant 0 : index
    %get3A_1 = vector.load %arg1[%get3A, %get3A_0] : memref<512x200xi32, #tpu.memory_space<vmem>>, vector<512x200xi32>
    %lt3A = arith.constant 100000 : i32
    %lt3A_2 = vector.broadcast %lt3A : i32 to vector<512x200xi32>
    %lt3A_3 = arith.cmpi slt, %get3A_1, %lt3A_2 : vector<512x200xi32>
    %lt3A_4 = arith.constant 400000 : i32
    %lt3A_5 = vector.broadcast %lt3A_4 : i32 to vector<512x200xi32>
    %lt3A_6 = arith.cmpi slt, %get3A_1, %lt3A_5 : vector<512x200xi32>
    %jit3A = arith.constant 6496 : i32
    %jit3A_7 = arith.constant 9600 : i32
    %broadcast_in_dim3A = vector.broadcast %jit3A : i32 to vector<512x200xi32>
    %broadcast_in_dim3A_8 = vector.broadcast %jit3A_7 : i32 to vector<512x200xi32>
    %select_n3A = arith.select %lt3A_6, %broadcast_in_dim3A, %broadcast_in_dim3A_8 : vector<512x200xi1>, vector<512x200xi32>
    %jit3A_9 = arith.constant 0 : i32
    %broadcast_in_dim3A_10 = vector.broadcast %jit3A_9 : i32 to vector<512x200xi32>
    %select_n3A_11 = arith.select %lt3A_3, %broadcast_in_dim3A_10, %select_n3A : vector<512x200xi1>, vector<512x200xi32>
    %add3A = arith.addi %get3A_1, %select_n3A_11 : vector<512x200xi32>
    %swap3A = arith.constant 0 : index
    %swap3A_12 = arith.constant 0 : index
    %swap3A_13 = vector.load %arg2[%swap3A, %swap3A_12] : memref<512x200xi32, #tpu.memory_space<vmem>>, vector<512x200xi32>
    tpu.vector_store %arg2[%swap3A, %swap3A_12], %add3A {strides = array<i32>} : memref<512x200xi32, #tpu.memory_space<vmem>>, vector<512x200xi32>,
    return
  }
  func.func @transform_0(%arg0: i32) -> (i32, i32) {
    %c0_i32 = arith.constant 0 : i32
    %c0_i32_0 = arith.constant 0 : i32
    return %arg0, %c0_i32 : i32, i32
  }
  func.func @transform_1(%arg0: i32) -> (i32, i32) {
    %c0_i32 = arith.constant 0 : i32
    %c0_i32_0 = arith.constant 0 : i32
    return %arg0, %c0_i32 : i32, i32
  }
}

module attributes {stable_mosaic.version = 14 : i64} {
  func.func @body(%arg0: i32, %arg1: memref<8192x128xf32, #tpu.memory_space<vmem>>, %arg2: memref<32x8192xf32, #tpu.memory_space<vmem>>, %arg3: memref<8x8192xf32, #tpu.memory_space<vmem>>, %arg4: memref<128x128xf32, #tpu.memory_space<vmem>>, %arg5: memref<32x128xf32, #tpu.memory_space<vmem>>, %arg6: memref<8x128xf32, #tpu.memory_space<vmem>>, %arg7: memref<8192x128xf32, #tpu.memory_space<vmem>>) attributes {dimension_semantics = [#tpu.dimension_semantics<parallel>], iteration_bounds = array<i64: 124>, scalar_prefetch = 0 : i64, scratch_operands = 0 : i64, tpu.core_type = #tpu.core_type<tc>, window_params = [{transform_indices = @transform_0, window_bounds = array<i64: 8192, 128>}, {transform_indices = @transform_1, window_bounds = array<i64: 32, 8192>}, {transform_indices = @transform_2, window_bounds = array<i64: 8, 8192>}, {pipeline_mode = #tpu.pipeline_mode<synchronous>, transform_indices = @transform_3, window_bounds = array<i64: 128, 128>}, {pipeline_mode = #tpu.pipeline_mode<synchronous>, transform_indices = @transform_4, window_bounds = array<i64: 32, 128>}, {pipeline_mode = #tpu.pipeline_mode<synchronous>, transform_indices = @transform_5, window_bounds = array<i64: 8, 128>}, {transform_indices = @transform_6, window_bounds = array<i64: 8192, 128>}]} {
    %lt3A = arith.constant 13 : i32
    %lt3A_0 = arith.cmpi slt, %arg0, %lt3A : i32
    %convert_element_type3A = arith.extui %lt3A_0 : i1 to i32
    %cond3A = arith.constant 0 : i32
    %cond3A_1 = arith.cmpi ne, %convert_element_type3A, %cond3A : i32
    scf.if %cond3A_1 {
      %get3A = arith.constant 0 : index
      %get3A_13 = arith.constant 0 : index
      %get3A_14 = vector.load %arg1[%get3A, %get3A_13] : memref<8192x128xf32, #tpu.memory_space<vmem>>, vector<8192x128xf32>
      %get3A_15 = arith.constant 0 : index
      %get3A_16 = arith.constant 0 : index
      %get3A_17 = vector.load %arg4[%get3A_15, %get3A_16] : memref<128x128xf32, #tpu.memory_space<vmem>>, vector<128x128xf32>
      %dot_general3A = arith.constant dense<0.000000e+00> : vector<8192x128xf32>
      %dot_general3A_18 = tpu.matmul %get3A_14, %get3A_17, %dot_general3A {dimension_numbers = #tpu.dot_dimension_numbers<[1], [0], [0], [1], [0, 0, 1, 1], [], []>, transpose_lhs_hint = false} : vector<8192x128xf32>, vector<128x128xf32>, vector<8192x128xf32> -> vector<8192x128xf32>
      %swap3A = arith.constant 0 : index
      %swap3A_19 = arith.constant 0 : index
      %swap3A_20 = vector.load %arg7[%swap3A, %swap3A_19] : memref<8192x128xf32, #tpu.memory_space<vmem>>, vector<8192x128xf32>
      tpu.vector_store %arg7[%swap3A, %swap3A_19], %dot_general3A_18 {strides = array<i32>} : memref<8192x128xf32, #tpu.memory_space<vmem>>, vector<8192x128xf32>,
    } else {
    }
    %ge3A = arith.constant 13 : i32
    %ge3A_2 = arith.cmpi sge, %arg0, %ge3A : i32
    %lt3A_3 = arith.constant 50 : i32
    %lt3A_4 = arith.cmpi slt, %arg0, %lt3A_3 : i32
    %and3A = arith.andi %ge3A_2, %lt3A_4 : i1
    %convert_element_type3A_5 = arith.extui %and3A : i1 to i32
    %cond3A_6 = arith.constant 0 : i32
    %cond3A_7 = arith.cmpi ne, %convert_element_type3A_5, %cond3A_6 : i32
    scf.if %cond3A_7 {
      %get3A = arith.constant 0 : index
      %get3A_13 = arith.constant 0 : index
      %get3A_14 = vector.load %arg2[%get3A, %get3A_13] : memref<32x8192xf32, #tpu.memory_space<vmem>>, vector<32x8192xf32>
      %get3A_15 = arith.constant 0 : index
      %get3A_16 = arith.constant 0 : index
      %get3A_17 = vector.load %arg5[%get3A_15, %get3A_16] : memref<32x128xf32, #tpu.memory_space<vmem>>, vector<32x128xf32>
      %dot_general3A = arith.constant dense<0.000000e+00> : vector<8192x128xf32>
      %dot_general3A_18 = tpu.matmul %get3A_14, %get3A_17, %dot_general3A {dimension_numbers = #tpu.dot_dimension_numbers<[0], [0], [1], [1], [0, 1, 1, 1], [], []>, transpose_lhs_hint = false} : vector<32x8192xf32>, vector<32x128xf32>, vector<8192x128xf32> -> vector<8192x128xf32>
      %swap3A = arith.constant 0 : index
      %swap3A_19 = arith.constant 0 : index
      %swap3A_20 = vector.load %arg7[%swap3A, %swap3A_19] : memref<8192x128xf32, #tpu.memory_space<vmem>>, vector<8192x128xf32>
      tpu.vector_store %arg7[%swap3A, %swap3A_19], %dot_general3A_18 {strides = array<i32>} : memref<8192x128xf32, #tpu.memory_space<vmem>>, vector<8192x128xf32>,
    } else {
    }
    %ge3A_8 = arith.constant 50 : i32
    %ge3A_9 = arith.cmpi sge, %arg0, %ge3A_8 : i32
    %convert_element_type3A_10 = arith.extui %ge3A_9 : i1 to i32
    %cond3A_11 = arith.constant 0 : i32
    %cond3A_12 = arith.cmpi ne, %convert_element_type3A_10, %cond3A_11 : i32
    scf.if %cond3A_12 {
      %get3A = arith.constant 0 : index
      %get3A_13 = arith.constant 0 : index
      %get3A_14 = vector.load %arg3[%get3A, %get3A_13] : memref<8x8192xf32, #tpu.memory_space<vmem>>, vector<8x8192xf32>
      %get3A_15 = arith.constant 0 : index
      %get3A_16 = arith.constant 0 : index
      %get3A_17 = vector.load %arg6[%get3A_15, %get3A_16] : memref<8x128xf32, #tpu.memory_space<vmem>>, vector<8x128xf32>
      %dot_general3A = arith.constant dense<0.000000e+00> : vector<8192x128xf32>
      %dot_general3A_18 = tpu.matmul %get3A_14, %get3A_17, %dot_general3A {dimension_numbers = #tpu.dot_dimension_numbers<[0], [0], [1], [1], [0, 1, 1, 1], [], []>, transpose_lhs_hint = false} : vector<8x8192xf32>, vector<8x128xf32>, vector<8192x128xf32> -> vector<8192x128xf32>
      %swap3A = arith.constant 0 : index
      %swap3A_19 = arith.constant 0 : index
      %swap3A_20 = vector.load %arg7[%swap3A, %swap3A_19] : memref<8192x128xf32, #tpu.memory_space<vmem>>, vector<8192x128xf32>
      tpu.vector_store %arg7[%swap3A, %swap3A_19], %dot_general3A_18 {strides = array<i32>} : memref<8192x128xf32, #tpu.memory_space<vmem>>, vector<8192x128xf32>,
    } else {
    }
    return
  }
  func.func @transform_0(%arg0: i32) -> (i32, i32) {
    %min3A = arith.constant 12 : i32
    %min3A_0 = arith.minsi %arg0, %min3A : i32
    %c0_i32 = arith.constant 0 : i32
    %c0_i32_1 = arith.constant 0 : i32
    return %min3A_0, %c0_i32 : i32, i32
  }
  func.func @transform_1(%arg0: i32) -> (i32, i32) {
    %sub3A = arith.constant 13 : i32
    %sub3A_0 = arith.subi %arg0, %sub3A : i32
    %jit3A = arith.constant 0 : i32
    %jit3A_1 = arith.constant 36 : i32
    %max3A = arith.maxsi %jit3A, %sub3A_0 : i32
    %min3A = arith.minsi %jit3A_1, %max3A : i32
    %c0_i32 = arith.constant 0 : i32
    %c0_i32_2 = arith.constant 0 : i32
    return %c0_i32, %min3A : i32, i32
  }
  func.func @transform_2(%arg0: i32) -> (i32, i32) {
    %sub3A = arith.constant 13 : i32
    %sub3A_0 = arith.subi %arg0, %sub3A : i32
    %sub3A_1 = arith.constant 37 : i32
    %sub3A_2 = arith.subi %sub3A_0, %sub3A_1 : i32
    %jit3A = arith.constant 0 : i32
    %jit3A_3 = arith.constant 73 : i32
    %max3A = arith.maxsi %jit3A, %sub3A_2 : i32
    %min3A = arith.minsi %jit3A_3, %max3A : i32
    %c0_i32 = arith.constant 0 : i32
    %c0_i32_4 = arith.constant 0 : i32
    return %c0_i32, %min3A : i32, i32
  }
  func.func @transform_3(%arg0: i32) -> (i32, i32) {
    %c0_i32 = arith.constant 0 : i32
    %c0_i32_0 = arith.constant 0 : i32
    %c0_i32_1 = arith.constant 0 : i32
    return %c0_i32, %c0_i32_0 : i32, i32
  }
  func.func @transform_4(%arg0: i32) -> (i32, i32) {
    %c0_i32 = arith.constant 0 : i32
    %c0_i32_0 = arith.constant 0 : i32
    %c0_i32_1 = arith.constant 0 : i32
    return %c0_i32, %c0_i32_0 : i32, i32
  }
  func.func @transform_5(%arg0: i32) -> (i32, i32) {
    %c0_i32 = arith.constant 0 : i32
    %c0_i32_0 = arith.constant 0 : i32
    %c0_i32_1 = arith.constant 0 : i32
    return %c0_i32, %c0_i32_0 : i32, i32
  }
  func.func @transform_6(%arg0: i32) -> (i32, i32) {
    %c0_i32 = arith.constant 0 : i32
    %c0_i32_0 = arith.constant 0 : i32
    return %arg0, %c0_i32 : i32, i32
  }
}

</mosaic_0001>

<sc_bundles>
// kernel: kernel.5.cloned.1.call-start
scs
__scs_entry_jumppad:
0x0: {  	(pc) =	sbr.rel $0x88, $3  }
0x1: {  	(tag) =	ssettag $0x0;
	lr =	simm.s32 $0x1  }
0x2: {  	[smem:$0x3F9A] =	sst lr;
	_ =	strace $0xD0000000  }
0x3: {  	_ = 	snop  }
0x4: {  	_ = 	snop  }
0x5: {  	_ = 	snop  }
0x6: {  	_ = 	snop  }
0x7: {  	_ = 	snop  }
__scs_overlays_trampoline_lowered:
0x8: {  	[smem:$0x3FA9] =	sst s0  }
0x9: {  	[smem:$0x3FAA] =	sst s1  }
0xa: {  	[smem:$0x3FAB] =	sst s2  }
0xb: {  	[smem:$0x3FAC] =	sst s3  }
0xc: {  	[smem:$0x3FAD] =	sst s4  }
0xd: {  	[smem:$0x3FAE] =	sst s5  }
0xe: {  	[smem:$0x3FAF] =	sst s6  }
0xf: {  	[smem:$0x3FB0] =	sst s7  }
0x10: {  	[smem:$0x3FB1] =	sst s8  }
0x11: {  	[smem:$0x3FB2] =	sst s9;
	s0 =	simm.s32 @!p0 $0x0  }
0x12: {  	s1 =	sld [smem:$0x3F98];
	s0 =	simm.s32 @p0 $0x1  }
0x13: {  	[smem:$0x3FB3] =	sst s0;
	s0 =	simm.s32 @!p1 $0x0  }
0x14: {  	s2 =	sld [smem:$0x3F97];
	s0 =	simm.s32 @p1 $0x1  }
0x15: {  	[smem:$0x3FB4] =	sst s0;
	s0 =	simm.s32 @!p2 $0x0  }
0x16: {  	s3 =	sld [smem:$0x3FDB];
	s0 =	simm.s32 @p2 $0x1  }
0x17: {  	s4 =	simm.s32 $0x1BF5;
	[smem:$0x3FB6] =	sst s0  }
0x18: {  	s0 =	sld [smem:$0x3F99];
	_ =	swait.ge [sflag:s4], $0x0  }
0x19: {  	s7 =	sld [smem:$0x3F9A]  }
0x1a: {  	s8 =	sadd.s32 $0xFFFFE003, lr  }
0x1b: {  	s9 =	sadd.s32 $0xFFFFFEF7, lr;
	s5 =	simm.s32 $0xFFFFFFFF;
	p2 =	slt.u32 s8, $0xFFFFF086  }
0x1c: {  	p1 =	slt.u32 s9, $0xF7A;
	s5 =	simm.s32 @!p2 $0x0  }
0x1d: {  	s5 =	simm.s32 @p1 $0x1;
	p0 =	seq.s32 s7, s2  }
0x1e: {  	s7 =	smul.u32 @!p0 $0xF7A, s2;
	p2 =	seq.s32 @!p0 s5, $0x0  }
0x1f: {  	s9 =	smul.u32 $0xF7A, s1;
	s8 =	simm.s32 @!p0 $0x1BF5;
	p2 =	por !p2, p0  }
0x20: {  	[sflag:s8] =	ssyncset.s32 @!p0 $0xFFFFF086;
	s6 =	sadd.s32 @!p0 s3, s7;
	s7 =	simm.s32 @!p0 $0x108  }
0x21: {  	s3 =	sadd.s32 s3, s9;
	s6 =	sadd.s32 @!p0 $0x88, s6;
	s7 =	simm.s32 @p2 $0x1082  }
0x22: {  	[simem:s7], [sflag:s8] =	dma.local @!p0 [hbm:s6], $0xF7A  }
0x23: {  	s9 =	sor.u32 $0xD0000000, s2;
	s6 =	simm.s32 $0x108;
	_ =	swait.ge @!p0 [sflag:s8], $0x0  }
0x24: {  	s3 =	sadd.s32 $0x88, s3;
	s6 =	simm.s32 @!p1 $0x1082;
	[sflag:s4] =	ssyncset.s32 $0xFFFFF086  }
0x25: {  	[simem:s6], [sflag:s4] =	dma.local [hbm:s3], $0xF7A  }
0x26: {  	[smem:$0x3F9A] =	sst s1;
	(tag) =	ssettag s2;
	_ =	strace s9  }
0x27: {  	s1 =	sld [smem:$0x3FAA]  }
0x28: {  	s2 =	sld [smem:$0x3FAB]  }
0x29: {  	s4 =	sld [smem:$0x3FAD]  }
0x2a: {  	p0 =	seq.s32 s5, $0x0;
	s5 =	sld [smem:$0x3FAE]  }
0x2b: {  	s6 =	sld [smem:$0x3FAF]  }
0x2c: {  	s7 =	sld [smem:$0x3FB0]  }
0x2d: {  	s3 =	simm.s32 $0x108;
	s8 =	sld [smem:$0x3FB1]  }
0x2e: {  	s3 =	simm.s32 @!p0 $0x1082;
	s9 =	sld [smem:$0x3FB2]  }
0x2f: {  	lr =	sadd.s32 s0, s3;
	s0 =	sld [smem:$0x3FA9]  }
0x30: {  	s3 =	sld [smem:$0x3FAC]  }
0x31: {  	[smem:$0x3FB5] =	sst s10  }
0x32: {  	s10 =	sld [smem:$0x3FB3];
	_ =	sdelay $0x3  }
0x33: {  	p0 =	seq.s32 s10, $0x1;
	s10 =	sld [smem:$0x3FB5];
	_ =	sdelay $0x3  }
0x34: {  	[smem:$0x3FB5] =	sst s10  }
0x35: {  	s10 =	sld [smem:$0x3FB4];
	_ =	sdelay $0x3  }
0x36: {  	p1 =	seq.s32 s10, $0x1;
	s10 =	sld [smem:$0x3FB5];
	_ =	sdelay $0x3  }
0x37: {  	[smem:$0x3FB5] =	sst s10  }
0x38: {  	s10 =	sld [smem:$0x3FB6]  }
0x39: {  	_ = 	snop;
	(pc) =	sbr.ind lr, $3  }
0x3a: {  	_ = 	snop  }
0x3b: {  	_ = 	snop  }
0x3c: {  	p2 =	seq.s32 s10, $0x1;
	s10 =	sld [smem:$0x3FB5]  }
0x3d: {  	_ =	shalt  }
0x3e: {  	_ =	shalt  }
0x3f: {  	_ =	shalt  }
0x40: {  	_ =	shalt  }
0x41: {  	_ =	shalt  }
0x42: {  	_ =	shalt  }
0x43: {  	_ =	shalt  }
0x44: {  	_ =	shalt  }
0x45: {  	_ =	shalt  }
0x46: {  	_ =	shalt  }
0x47: {  	_ =	shalt  }
0x48: {  	_ =	shalt  }
0x49: {  	_ =	shalt  }
0x4a: {  	_ =	shalt  }
0x4b: {  	_ =	shalt  }
0x4c: {  	_ =	shalt  }
0x4d: {  	_ =	shalt  }
0x4e: {  	_ =	shalt  }
0x4f: {  	_ =	shalt  }
0x50: {  	_ =	shalt  }
0x51: {  	_ =	shalt  }
0x52: {  	_ =	shalt  }
0x53: {  	_ =	shalt  }
0x54: {  	_ =	shalt  }
0x55: {  	_ =	shalt  }
0x56: {  	_ =	shalt  }
0x57: {  	_ =	shalt  }
0x58: {  	_ =	shalt  }
0x59: {  	_ =	shalt  }
0x5a: {  	_ =	shalt  }
0x5b: {  	_ =	shalt  }
0x5c: {  	_ =	shalt  }
0x5d: {  	_ =	shalt  }
0x5e: {  	_ =	shalt  }
0x5f: {  	_ =	shalt  }
0x60: {  	_ =	shalt  }
0x61: {  	_ =	shalt  }
0x62: {  	_ =	shalt  }
0x63: {  	_ =	shalt  }
0x64: {  	_ =	shalt  }
0x65: {  	_ =	shalt  }
0x66: {  	_ =	shalt  }
0x67: {  	_ =	shalt  }
0x68: {  	_ =	shalt  }
0x69: {  	_ =	shalt  }
0x6a: {  	_ =	shalt  }
0x6b: {  	_ =	shalt  }
0x6c: {  	_ =	shalt  }
0x6d: {  	_ =	shalt  }
0x6e: {  	_ =	shalt  }
0x6f: {  	_ =	shalt  }
0x70: {  	_ =	shalt  }
0x71: {  	_ =	shalt  }
0x72: {  	_ =	shalt  }
0x73: {  	_ =	shalt  }
0x74: {  	_ =	shalt  }
0x75: {  	_ =	shalt  }
0x76: {  	_ =	shalt  }
0x77: {  	_ =	shalt  }
0x78: {  	_ =	shalt  }
0x79: {  	_ =	shalt  }
0x7a: {  	_ =	shalt  }
0x7b: {  	_ =	shalt  }
0x7c: {  	_ =	shalt  }
0x7d: {  	_ =	shalt  }
0x7e: {  	_ =	shalt  }
0x7f: {  	_ =	shalt  }
0x80: {  	_ =	shalt  }
0x81: {  	_ =	shalt  }
0x82: {  	_ =	shalt  }
0x83: {  	_ =	shalt  }
0x84: {  	_ =	shalt  }
0x85: {  	_ =	shalt  }
0x86: {  	_ =	shalt  }
0x87: {  	_ =	shalt  }
.Lfunc_end0:
.L_simem_size_0:
called_computation_lowered:
.L_overlay_start_0:
0x88: {  	s2 =	sld [smem:$0x3FD9]  }
0x89: {  	s3 =	sld [smem:$0x3FFE];
	_ =	sdelay $0x1  }
0x8a: {  	s1 =	srdreg.scid  }
0x8b: {  	s0 =	sand.u32 $0x1, s1  }
0x8c: {  	s17 =	sshll.u32 s0, $0xA;
	s2 =	sadd.s32 s3, s2  }
0x8d: {  	s2 =	sadd.s32 s2, s17  }
0x8e: {  	[smem:$0x3FC1] =	sst s2  }
0x8f: {  	_ = 	snop  }
0x90: {  	s2 =	sld [smem:$0x3FD0];
	(tm) =	ssettm $0x1  }
0x91: {  	s18 =	sld [smem:$0x3FFB];
	_ =	sdelay $0x3  }
0x92: {  	_ =	strace s18  }
0x93: {  	s3 =	sld [smem:$0x3FFC];
	_ =	sdelay $0x3  }
0x94: {  	_ =	strace s3  }
0x95: {  	s3 =	sld [smem:$0x3FFD];
	_ =	sdelay $0x3  }
0x96: {  	_ =	strace s3  }
0x97: {  	_ =	strace $0x8FFFFFFF  }
0x98: {  	s19 =	sld [smem:$0x3FDB];
	_ =	sdelay $0x1  }
0x99: {  	s4 =	simm.s32 $_scs_section_size  }
0x9a: {  	s5 =	simm.s32 $_size__tile_overlayer_lowered;
	s6 =	simm.s32 $_tile_overlayer_lowered  }
0x9b: {  	s22 =	simm.s32 $0x1BFF;
	s21 =	sshll.u32 s6, $0x1;
	s3 =	sadd.s32 s4, s19  }
0x9c: {  	s7 =	simm.s32 $0x0;
	s20 =	sshll.u32 s5, $0x1;
	s5 =	sadd.s32 s21, s3  }
0x9d: {  	[timem:s7], [sflag:s22] =	dma.local [hbm:s5], s20  }
0x9e: {  	_ =	swait.ge [sflag:s22], s20  }
0x9f: {  	s4 =	ssub.s32 $0x0, s20;
	[sflag:s22] =	ssyncset.done $0x0  }
0xa0: {  	[sflag:s22] =	ssyncadd.s32 s4;
	_ =	sdelay $0x1  }
0xa1: {  	s23 =	simm.s32 $0x1B8B  }
0xa2: {  	_ =	swait.ge [sflag:s23], $0x1  }
0xa3: {  	[sflag:s23] =	ssyncset.done $0x0  }
0xa4: {  	s25 =	simm.s32 $0x1B8E;
	s24 =	sld [smem:$0x3FFE];
	[sflag:s23] =	ssyncadd.s32 $0xFFFFFFFF  }
0xa5: {  	s26 =	simm.s32 $execute0_lowered;
	[smem:$0x3FD2] =	sst s25  }
0xa6: {  	s5 =	sshll.u32 s26, $0x1;
	_ =	strace $0x80000046;
	[dreg:$0x1] =	wrdreg $0xFFFFFFFF  }
0xa7: {  	s28 =	simm.s32 $_size_execute0_lowered;
	s3 =	sadd.s32 s3, s5;
	[dreg:$0x0] =	wrdreg $0x0  }
0xa8: {  	s5 =	sshll.u32 s28, $0x1;
	[dreg:$0x2] =	wrdreg s3  }
0xa9: {  	[dreg:$0x3] =	wrdreg s5  }
0xaa: {  	[dreg:$0x4] =	wrdreg $0xC0  }
0xab: {  	_ =	task [dreg:s7], $0x5FFFF  }
0xac: {  	[dreg:$0x1] =	wrdreg $0xFFFFFFFF  }
0xad: {  	[dreg:$0x0] =	wrdreg $0x60  }
0xae: {  	[dreg:$0x2] =	wrdreg s24  }
0xaf: {  	[dreg:$0x3] =	wrdreg s2  }
0xb0: {  	[dreg:$0x4] =	wrdreg $0x9  }
0xb1: {  	_ =	task.clear_ibuf [dreg:s7], $0x5FFFF;
	_ =	strace $0x90000046  }
0xb2: {  	s29 =	simm.s32 $0x9;
	_ =	strace $0x8000004F  }
0xb3: {  	_ =	swait.ge [sflag:s29], $0x1  }
0xb4: {  	[sflag:s29] =	ssyncadd.s32 $0xFFFFFFFF  }
0xb5: {  	_ =	strace $0x9000004F  }
0xb6: {  	_ =	sfence  }
0xb7: {  	s30 =	sld [smem:$0x0];
	_ =	sdelay $0x2  }
0xb8: {  	s31 =	sshll.u32 s1, $0xD;
	s1 =	sshrl.u32 s1, $0x2  }
0xb9: {  	s3 =	sand.u32 $0x4000, s31;
	s1 =	sadd.s32 s1, s30  }
0xba: {  	s0 =	sor.u32 s3, s0;
	s1 =	sshll.u32 s1, $0x11  }
0xbb: {  	s0 =	sor.u32 s1, s0  }
0xbc: {  	s0 =	sadd.s32 $0x8F2B, s0  }
0xbd: {  	[sflag:s0] =	ssyncadd.remote.s32 $0x1  }
0xbe: {  	_ =	sfence.sel $0xFFFF  }
0xbf: {  	[dreg:$0x0] =	wrdreg $0xFFFFFFFF;
	(pc) =	sbr.abs _section_cstart, $3  }
0xc0: {  	[dreg:$0x1] =	wrdreg $0xFFFFFFFF  }
0xc1: {  	_ =	task.clear_ibuf [dreg:s7], $0x2FFFF;
	_ =	strace $0x9FFFFFFF  }
0xc2: {  	(tm) =	ssettm $0x7FFFFFFF  }
0xc3: {  	_ =	shalt  }
tec
execute0_lowered:
.L_overlay_start_1:
0x0: {  	(tag) =	ssettag $0x1  }
0x1: {  	s4 =	rddreg [dreg:$0x0]  }
0x2: {  	s0 =	rddreg [dreg:$0x1];
	s1 =	srdreg.scid;
	s2 =	simm.s32 $0x0  }
0x3: {  	s31 =	stileid.u32;
	s9 =	simm.s32 $0x80;
	s10 =	simm.s32 $0x5  }
0x4: {  	s11 =	simm.s32 $0x4;
	[dreg:$0x3] =	wrdreg s0;
	s3 =	sand.u32 $0x1, s1  }
0x5: {  	s12 =	simm.s32 $0x0;
	[smem:$0x7FF] =	sst s2;
	s5 =	sshll.u32 s3, $0x4  }
0x6: {  	_ =	strace $0x80000047;
	s6 =	ssub.s32 $0x2, s3;
	s5 =	sor.u32 s31, s5  }
0x7: {  	s3 =	sadd.s32 $0x19600, s4;
	s8 =	sshrl.u32 s6, $0x1;
	s7 =	smul.u32 $0xC80, s5  }
0x8: {  	s4 =	sadd.s32 $0x600, s4;
	s8 =	ssub.s32 s6, s8;
	s5 =	smul.u32 $0x64, s5  }
0x9: {  	s6 =	sadd.s32 s4, s7;
	s7 =	smax.u32 s8, $0x1;
	s8 =	simm.s32 $0x1  }
.LBB2_1:
0xa: {  	_ =	strace $0x80000048;
	s14 =	simm.s32 $0x1;
	p0 =	por $0x0, $0x0  }
0xb: {  	[tilespmem:s2], [sflag:$0x1] =	stream.linear.gather [hbm4b:s6+s2], $0x100, $0x200038;
	[tilespmem:$0x10200] =	vst v63  }
0xc: {  	s14 =	simm.s32 @p0 $0x0  }
0xd: {  	p1 =	por $0x1, $0x1;
	p0 =	sne.s32 s14, $0x0  }
0xe: {  	p1 =	por !p1, !p0  }
0xf: {  	s22 =	sand.u32 $0x1, s2;
	p1 =	por !p1, !p1  }
0x10: {  	s18 =	simm.s32 $0x1;
	s25 =	simm.s32 $0x0;
	s13 =	sadd.s32 @p1 s5, s14  }
0x11: {  	_ =	strace $0x90000048;
	s15 =	sand.u32 @p1 $0x1, s8;
	s13 =	sshll.u32 @p1 s13, $0x5  }
0x12: {  	s16 =	simm.s32 @p1 $0x0;
	_ =	strace @p1 $0x80000049;
	s13 =	sand.u32 @p1 $0x1FFFFFE0, s13  }
0x13: {  	s17 =	sshll.u32 @p1 s15, $0x8;
	s15 =	sadd.s32 @p1 $0x1, s15;
	s13 =	sadd.s32 @p1 s4, s13  }
0x14: {  	[tilespmem:s17], [sflag:s15] =	stream.linear.gather @p1 [hbm4b:s13+s16], $0x100, $0x200038;
	[tilespmem:$0x10200] =	vst v63  }
0x15: {  	p2 =	por $0x0, $0x0;
	p6 =	por $0x1, $0x1;
	_ =	strace @p1 $0x90000049  }
0x16: {  	s24 =	sadd.s32 $0x1, s22;
	s26 =	sshll.u32 s22, $0xF;
	_ =	strace $0x8000004A  }
0x17: {  	s21 =	simm.s32 $0x0;
	s23 =	sor.u32 $0x200, s26;
	_ =	swait.ge [sflag:s24], $0x100  }
0x18: {  	s19 =	sor.u32 $0x4200, s26;
	p3 =	por p2, p0;
	[sflag:s24] =	ssyncset.done $0x0  }
0x19: {  	s30 =	simm.s32 @p3 $0x0;
	s18 =	simm.s32 @!p1 $0x0;
	[sflag:s24] =	ssyncadd.s32 $0xFFFFFF00  }
0x1a: {  	s20 =	sadd.s32 $0x1, s18;
	s13 =	simm.s32 $0x63;
	_ =	strace $0x9000004A  }
0x1b: {  	s15 =	sand.u32 $0x100, s25;
	s17 =	simm.s32 $0x62;
	_ =	strace $0x8000004B  }
0x1c: {  	[tilespmem:s23], [sflag:$0x5] =	stream.indirect.gather [hbm4b:s3+s9], $0x80, s15, s9, $0x2000b8;
	[tilespmem:$0x10200] =	vst v63  }
0x1d: {  	s16 =	simm.s32 $0x1;
	p1 =	por $0x0, $0x0;
	_ =	swait.ge [sflag:s10], $0x4000  }
0x1e: {  	s16 =	simm.s32 @!p1 $0x0;
	p1 =	por $0x1, $0x1;
	[sflag:s10] =	ssyncset.done $0x0  }
0x1f: {  	s18 =	sand.u32 @!p1 $0x1, s2;
	s15 =	sor.u32 $0x80, s15;
	[sflag:s10] =	ssyncadd.s32 $0xFFFFC000  }
0x20: {  	[tilespmem:s19], [sflag:$0x5] =	stream.indirect.gather [hbm4b:s3+s9], $0x80, s15, s9, $0x2000b8;
	[tilespmem:$0x10200] =	vst v63  }
0x21: {  	s26 =	sadd.s32 @!p1 $0x3, s18;
	s19 =	sadd.s32 $0x1, s14;
	_ =	swait.ge [sflag:s10], $0x4000  }
0x22: {  	s18 =	simm.s32 $0x0;
	p0 =	seq.s32 s19, $0x64;
	[sflag:s10] =	ssyncset.done $0x0  }
0x23: {  	s24 =	simm.s32 $0x1;
	s19 =	simm.s32 @p0 $0x0;
	[sflag:s10] =	ssyncadd.s32 $0xFFFFC000  }
0x24: {  	s15 =	sadd.s32 $0x0, s5;
	p0 =	sne.s32 s14, s19;
	_ =	strace $0x9000004B  }
0x25: {  	s25 =	sshll.u32 @p3 s15, $0xC;
	p2 =	por !p6, !p0;
	_ =	strace @p3 $0x8000004C  }
0x26: {  	s15 =	simm.s32 $0x0;
	p2 =	por !p2, !p2;
	s31 =	rddreg [dreg:$0x3]  }
0x27: {  	s29 =	sand.u32 @p2 $0x1, s20;
	s28 =	sadd.s32 @p2 s5, s19;
	s24 =	simm.s32 @!p2 $0x0  }
.LBB2_2:
0x28: {  	s0 =	sshll.u32 @p2 s28, $0x5  }
0x29: {  	s22 =	sadd.s32 @p3 $0x3, s22;
	s1 =	sand.u32 @p3 $0x1FFFF000, s25;
	s25 =	smov.u32 s13  }
0x2a: {  	s13 =	smov.u32 s17;
	s28 =	smov.u32 s14;
	s1 =	sadd.s32 @p3 s31, s1  }
0x2b: {  	[hbm4b:s1+s30] =	stream.linear.scatter @p3 [tilespmem:s23], [sflag:s22], $0x8000, $0x200038;
	[tilespmem:$0x10200] =	vst v63  }
0x2c: {  	s14 =	simm.s32 $0x1;
	s17 =	sadd.s32 $0xFFFFFFFF, s17;
	_ =	strace @p3 $0x9000004C  }
0x2d: {  	s15 =	sadd.s32 s16, s15;
	s16 =	simm.s32 @p2 $0x0;
	_ =	strace @!p1 $0x8000004D  }
0x2e: {  	s20 =	sadd.s32 s24, s20;
	s24 =	simm.s32 $0x1;
	_ =	swait.ge @!p1 [sflag:s26], $0x8000  }
0x2f: {  	s0 =	sand.u32 @p2 $0x1FFFFFE0, s0;
	s14 =	simm.s32 @!p3 $0x0;
	[sflag:s26] =	ssyncset.done @!p1 $0x0  }
0x30: {  	p4 =	sne.s32 s17, $0x0;
	p5 =	seq.s32 s25, $0x1;
	[sflag:s26] =	ssyncadd.s32 @!p1 $0xFFFF8000  }
0x31: {  	s0 =	sadd.s32 @p2 s4, s0;
	s21 =	sadd.s32 s14, s21;
	_ =	strace @!p1 $0x9000004D  }
0x32: {  	s22 =	sshll.u32 @p2 s29, $0x8;
	s23 =	sadd.s32 @p2 $0x1, s29;
	_ =	strace @p2 $0x80000049  }
0x33: {  	[tilespmem:s22], [sflag:s23] =	stream.linear.gather @p2 [hbm4b:s0+s16], $0x100, $0x200038;
	[tilespmem:$0x10200] =	vst v63  }
0x34: {  	p6 =	sne.s32 s13, $0x1;
	s1 =	sand.u32 $0x1, s21;
	_ =	strace @p2 $0x90000049  }
0x35: {  	s18 =	sadd.s32 s14, s18;
	s1 =	sadd.s32 $0x1, s1;
	_ =	strace $0x8000004A  }
0x36: {  	s14 =	smov.u32 s19;
	s19 =	sadd.s32 $0x1, s19;
	_ =	swait.ge [sflag:s1], $0x100  }
0x37: {  	s30 =	sshll.u32 s21, $0x8;
	p3 =	por p5, p0;
	[sflag:s1] =	ssyncset.done $0x0  }
0x38: {  	p0 =	seq.s32 s19, $0x64;
	s22 =	sand.u32 $0x1, s18;
	[sflag:s1] =	ssyncadd.s32 $0xFFFFFF00  }
0x39: {  	s19 =	simm.s32 @p0 $0x0;
	s16 =	sshll.u32 s22, $0xF;
	_ =	strace $0x9000004A  }
0x3a: {  	s26 =	sand.u32 $0x100, s30;
	s23 =	sor.u32 $0x200, s16;
	_ =	strace $0x8000004B  }
0x3b: {  	[tilespmem:s23], [sflag:$0x5] =	stream.indirect.gather [hbm4b:s3+s9], $0x80, s26, s9, $0x2000b8;
	[tilespmem:$0x10200] =	vst v63  }
0x3c: {  	p0 =	sne.s32 s14, s19;
	s30 =	simm.s32 @p3 $0x0;
	_ =	swait.ge [sflag:s10], $0x4000  }
0x3d: {  	p2 =	sne.s32 s25, $0x64;
	s0 =	sor.u32 $0x4200, s16;
	[sflag:s10] =	ssyncset.done $0x0  }
0x3e: {  	s16 =	simm.s32 $0x1;
	s1 =	sor.u32 $0x80, s26;
	[sflag:s10] =	ssyncadd.s32 $0xFFFFC000  }
0x3f: {  	[tilespmem:s0], [sflag:$0x5] =	stream.indirect.gather [hbm4b:s3+s9], $0x80, s1, s9, $0x2000b8;
	[tilespmem:$0x10200] =	vst v63  }
0x40: {  	s16 =	simm.s32 @!p2 $0x0;
	p2 =	por !p6, !p0;
	_ =	swait.ge [sflag:s10], $0x4000  }
.Ltmp0:
0x41: {  	p2 =	por !p2, !p2;
	[sflag:s10] =	ssyncset.done $0x0;
	(pc) =	sbr.rel @p4 .LBB2_2-.Ltmp0, $4  }
0x42: {  	p1 =	seq.s32 s25, $0x64;
	s29 =	sand.u32 @p2 $0x1, s20;
	[sflag:s10] =	ssyncadd.s32 $0xFFFFC000  }
0x43: {  	s24 =	simm.s32 @!p2 $0x0;
	s0 =	sadd.s32 s5, s28;
	_ =	strace $0x9000004B  }
0x44: {  	s1 =	sand.u32 @!p1 $0x1, s15;
	s28 =	sadd.s32 @p2 s5, s19;
	_ =	strace @p3 $0x8000004C  }
0x45: {  	s26 =	sadd.s32 @!p1 $0x3, s1;
	s25 =	sshll.u32 @p3 s0, $0xC;
	s31 =	rddreg [dreg:$0x3]  }
0x46: {  	s0 =	sand.u32 @p3 $0x1FFFF000, s25  }
0x47: {  	s1 =	sadd.s32 @p3 $0x3, s22;
	s0 =	sadd.s32 @p3 s31, s0  }
0x48: {  	[hbm4b:s0+s30] =	stream.linear.scatter @p3 [tilespmem:s23], [sflag:s1], $0x8000, $0x200038;
	[tilespmem:$0x10200] =	vst v63  }
0x49: {  	_ =	strace @p3 $0x9000004C  }
0x4a: {  	_ =	strace @!p1 $0x8000004D  }
0x4b: {  	s19 =	simm.s32 @p2 $0x0;
	_ =	swait.ge @!p1 [sflag:s26], $0x8000  }
0x4c: {  	s20 =	sshll.u32 @p2 s29, $0x8;
	s0 =	sshll.u32 @p2 s28, $0x5;
	[sflag:s26] =	ssyncset.done @!p1 $0x0  }
0x4d: {  	s1 =	simm.s32 $0x1;
	s0 =	sand.u32 @p2 $0x1FFFFFE0, s0;
	[sflag:s26] =	ssyncadd.s32 @!p1 $0xFFFF8000  }
0x4e: {  	s1 =	simm.s32 @!p3 $0x0;
	s0 =	sadd.s32 @p2 s4, s0;
	_ =	strace @!p1 $0x9000004D  }
0x4f: {  	s17 =	sadd.s32 s1, s21;
	s21 =	sadd.s32 @p2 $0x1, s29;
	_ =	strace @p2 $0x80000049  }
0x50: {  	[tilespmem:s20], [sflag:s21] =	stream.linear.gather @p2 [hbm4b:s0+s19], $0x100, $0x200038;
	[tilespmem:$0x10200] =	vst v63  }
0x51: {  	s29 =	sand.u32 $0x1, s17;
	_ =	strace @p2 $0x90000049  }
0x52: {  	s0 =	sadd.s32 $0x1, s29;
	_ =	strace $0x8000004A  }
0x53: {  	_ =	swait.ge [sflag:s0], $0x100  }
0x54: {  	s1 =	sadd.s32 s1, s18;
	[sflag:s0] =	ssyncset.done $0x0  }
0x55: {  	[sflag:s0] =	ssyncadd.s32 $0xFFFFFF00;
	s0 =	sand.u32 $0x1, s1  }
0x56: {  	s30 =	sshll.u32 s17, $0x8;
	_ =	strace $0x9000004A;
	s31 =	sshll.u32 s0, $0xF  }
0x57: {  	s1 =	sand.u32 $0x100, s30;
	_ =	strace $0x8000004B;
	s18 =	sor.u32 $0x200, s31  }
0x58: {  	[tilespmem:s18], [sflag:$0x5] =	stream.indirect.gather [hbm4b:s3+s9], $0x80, s1, s9, $0x2000b8;
	[tilespmem:$0x10200] =	vst v63  }
0x59: {  	_ =	swait.ge [sflag:s10], $0x4000  }
0x5a: {  	[sflag:s10] =	ssyncset.done $0x0  }
0x5b: {  	s17 =	sor.u32 $0x4200, s31;
	s1 =	sor.u32 $0x80, s1;
	[sflag:s10] =	ssyncadd.s32 $0xFFFFC000  }
0x5c: {  	[tilespmem:s17], [sflag:$0x5] =	stream.indirect.gather [hbm4b:s3+s9], $0x80, s1, s9, $0x2000b8;
	[tilespmem:$0x10200] =	vst v63  }
0x5d: {  	_ =	swait.ge [sflag:s10], $0x4000  }
0x5e: {  	[sflag:s10] =	ssyncset.done $0x0  }
0x5f: {  	p6 =	seq.s32 s13, $0x1;
	[sflag:s10] =	ssyncadd.s32 $0xFFFFC000  }
0x60: {  	p0 =	por p6, p0;
	s1 =	sadd.s32 s5, s14;
	_ =	strace $0x9000004B  }
0x61: {  	s15 =	sadd.s32 s16, s15;
	s1 =	sshll.u32 @p0 s1, $0xC;
	_ =	strace @p0 $0x8000004C  }
0x62: {  	p1 =	seq.s32 s13, $0x64;
	s1 =	sand.u32 @p0 $0x1FFFF000, s1;
	s14 =	rddreg [dreg:$0x3]  }
0x63: {  	s13 =	simm.s32 @p0 $0x0;
	s0 =	sadd.s32 @p0 $0x3, s0;
	s1 =	sadd.s32 @p0 s14, s1  }
0x64: {  	[hbm4b:s1+s13] =	stream.linear.scatter @p0 [tilespmem:s18], [sflag:s0], $0x8000, $0x200038;
	[tilespmem:$0x10200] =	vst v63  }
0x65: {  	s0 =	sand.u32 @!p1 $0x1, s15;
	_ =	strace @p0 $0x9000004C  }
0x66: {  	s0 =	sadd.s32 @!p1 $0x3, s0;
	_ =	strace @!p1 $0x8000004D  }
0x67: {  	_ =	swait.ge @!p1 [sflag:s0], $0x8000  }
0x68: {  	[sflag:s0] =	ssyncset.done @!p1 $0x0  }
0x69: {  	s12 =	sadd.s32 $0x1, s12;
	[sflag:s0] =	ssyncadd.s32 @!p1 $0xFFFF8000  }
0x6a: {  	p0 =	sne.s32 s12, s7;
	_ =	strace @!p1 $0x9000004D  }
.Ltmp1:
0x6b: {  	_ =	strace $0x8000004E;
	(pc) =	sbr.rel @p0 .LBB2_1-.Ltmp1, $4  }
0x6c: {  	_ =	swait.ge [sflag:s11], $0x8000  }
0x6d: {  	[sflag:s11] =	ssyncset.done $0x0  }
0x6e: {  	[sflag:s11] =	ssyncadd.s32 $0xFFFF8000  }
0x6f: {  	_ =	strace $0x9000004E  }
0x70: {  	_ =	sfence.sel $0x180000  }
0x71: {  	[bflag:$0x0] =	sbarrier.arrive $0xFFFF  }
0x72: {  	_ =	strace $0x90000047  }
0x73: {  	s0 =	stileid.u32;
	[bflag:$0x2] =	sbarrier.arrive $0xFFFF  }
0x74: {  	p0 =	sne.s32 s0, $0x0;
	s0 =	rddreg [dreg:$0x2]  }
0x75: {  	s0 =	sadd.s32 @!p0 $0x100000, s0  }
0x76: {  	[sflag:s0] =	ssyncadd.tile.s32 @!p0 $0x1;
	_ =	shalt  }
.Lfunc_end2:
_tile_overlayer_lowered:
.L_overlay_start_2:
0x77: {  	(tag) =	ssettag $0x2  }
0x78: {  	s0 =	rddreg [dreg:$0x0];
	s2 =	stileid.u32  }
0x79: {  	s1 =	rddreg [dreg:$0x1];
	p0 =	sne.s32 s2, $0x0  }
0x7a: {  	s3 =	rddreg [dreg:$0x2];
	[bflag:$0x3] =	sbarrier.arrive $0xFFFF;
	s2 =	simm.s32 @!p0 $0x1C01  }
0x7b: {  	[timem:s3], [sflag:s2] =	dma.local @!p0 [hbm:s0], s1  }
0x7c: {  	s0 =	simm.s32 @!p0 $0x1  }
0x7d: {  	_ =	swait.ge @!p0 [sflag:s0], s1  }
0x7e: {  	s1 =	ssub.s32 @!p0 $0x0, s1;
	[sflag:s0] =	ssyncset.done @!p0 $0x0  }
0x7f: {  	[sflag:s0] =	ssyncadd.s32 @!p0 s1  }
0x80: {  	[bflag:$0x3] =	sbarrier.arrive $0xFFFF  }
0x81: {  	_ =	shalt  }

</sc_bundles>
